<compile_context>
chip_gen: v7x
topology: tpu7x:2x2x1
jax: 0.10.2.dev20260603
libtpu: 0.0.44.dev20260713+nightly
codegen_flags: <defaults>
</compile_context>

<pallas_src>
import functools

import jax
import jax.numpy as jnp
from jax import lax
from jax.experimental import pallas as pl
from jax.experimental.pallas import tpu as pltpu
from jax.experimental.pallas import tpu_sc as plsc

B, S = 1024, 26
NUM_CLASSES = 1000
NC, NS, L = 2, 16, 16
NW = NC * NS
CC = 40
CPS = NUM_CLASSES // CC
UNITS = S * CPS
BV = B // L


def _body(x_hbm, out_hbm, idx_v, buf_v, sem0, sem1):
    wid = lax.axis_index("c") * NS + lax.axis_index("s")
    u0 = wid * UNITS // NW
    u1 = (wid + 1) * UNITS // NW
    sems = (sem0, sem1)

    s_base = jnp.minimum(u0 // CPS, S - 2)
    pltpu.sync_copy(x_hbm.at[pl.ds(s_base * B, 2 * B)], idx_v)

    zeros = jnp.zeros((L,), jnp.float32)
    ones = jnp.ones((L,), jnp.float32)
    lane = lax.iota(jnp.int32, L)

    def zero_row(r, c):
        def zero_vec(k, c):
            buf_v[r // CC, r % CC, pl.ds(k * L, L)] = zeros
            return c
        return lax.fori_loop(0, BV, zero_vec, c)
    lax.fori_loop(0, 2 * CC, zero_row, 0)

    def scan(slot, u, vals):
        s_off = u // CPS - s_base
        c0 = (u % CPS) * CC
        slot_vec = jnp.full((L,), slot, jnp.int32)
        def scan_vec(k, c):
            ivec = idx_v[pl.ds(s_off * B + k * L, L)]
            m = (ivec >= c0) & (ivec < c0 + CC)
            plsc.store_scatter(buf_v, [slot_vec, ivec - c0, lane + k * L],
                               vals, mask=m)
            return c
        lax.fori_loop(0, BV, scan_vec, 0)

    def drain(slot):
        pltpu.make_async_copy(out_hbm.at[0, pl.ds(0, CC)], buf_v.at[slot],
                              sems[slot]).wait()

    n_groups = (u1 - u0 + 1) // 2
    def group(g, c):
        for slot in (0, 1):
            u = u0 + g * 2 + slot
            @pl.when(u < u1)
            def _issue():
                @pl.when(g > 0)
                def _reclaim():
                    drain(slot)
                    scan(slot, u - 2, zeros)
                scan(slot, u, ones)
                pltpu.make_async_copy(
                    buf_v.at[slot],
                    out_hbm.at[u // CPS, pl.ds((u % CPS) * CC, CC)],
                    sems[slot]).start()
        return c
    lax.fori_loop(0, n_groups, group, 0)
    drain(0)
    drain(1)


@functools.partial(jax.jit, static_argnames=())
def kernel(x, eye):
    del eye
    xt = x.T.reshape(-1)
    mesh = plsc.VectorSubcoreMesh(core_axis_name="c", subcore_axis_name="s",
                                  num_cores=NC, num_subcores=NS)
    k = pl.kernel(
        _body,
        out_type=jax.ShapeDtypeStruct((S, NUM_CLASSES, B), jnp.float32),
        mesh=mesh,
        scratch_types=[
            pltpu.VMEM((2 * B,), jnp.int32),
            pltpu.VMEM((2, CC, B), jnp.float32),
            pltpu.SemaphoreType.DMA,
            pltpu.SemaphoreType.DMA,
        ],
        compiler_params=pltpu.CompilerParams(needs_layout_passes=False),
    )
    out = k(xt)
    return jnp.transpose(out, (2, 0, 1))

# --- scband reference (transcript-rebuilt; emitter-appended) ---
"""Pipeline reference for scband-differentiable-one-hot-encoding-22385369547197 (READ-ONLY COPY).

The authoritative reference and input builder live on the scoring server;
editing this copy changes nothing except your own understanding.
"""

import jax, jax.numpy as jnp
import numpy as np

NUM_CLASSES = 1000

def setup_inputs(seed: int = 0) -> dict:
    key = jax.random.key(seed)
    x = jax.random.randint(key, (1024, 26), 0, NUM_CLASSES, dtype=jnp.int32)
    eye = jnp.eye(NUM_CLASSES, dtype=jnp.float32)
    return {"x": x, "eye": eye}

def reference(x, eye):
    # torch.index_select(eye, 0, x.view(-1)) -> jnp.take(eye, flat_idx, axis=0)
    flat_idx = x.reshape(-1)
    one_hot = jnp.take(eye, flat_idx, axis=0)
    one_hot = one_hot.reshape(x.shape[0], x.shape[1], NUM_CLASSES)
    return one_hot

if __name__ == "__main__":
    import jax
    _d = setup_inputs()
    print(jax.jit(kernel)(*tuple(_d.values())))

</pallas_src>

<mosaic_0001>
#map = affine_map<(d0, d1) -> (0)>
#map1 = affine_map<(d0, d1) -> (0, 0, 0)>
module attributes {stable_mosaic.version = 14 : i64} {
  func.func @_body(%arg0: i32, %arg1: i32, %arg2: memref<26624xi32, #tpu.memory_space<hbm>>, %arg3: memref<26x1000x1024xf32, #tpu.memory_space<hbm>>, %arg4: memref<2048xi32, #tpu.memory_space<vmem>>, %arg5: memref<2x40x1024xf32, #tpu.memory_space<vmem>>, %arg6: memref<!tpu.dma_semaphore, #tpu.memory_space<semaphore_mem>>, %arg7: memref<!tpu.dma_semaphore, #tpu.memory_space<semaphore_mem>>) attributes {dimension_semantics = [#tpu.dimension_semantics<core_parallel>, #tpu.dimension_semantics<subcore_parallel>], iteration_bounds = array<i64: 2, 16>, scalar_prefetch = 0 : i64, scratch_operands = 4 : i64, tpu.core_type = #tpu.core_type<sc_vector_subcore>, window_params = [{transform_indices = #map}, {transform_indices = #map1}]} {
    %mul3A = arith.constant 16 : i32
    %mul3A_0 = arith.muli %arg0, %mul3A : i32
    %add3A = arith.addi %mul3A_0, %arg1 : i32
    %mul3A_1 = arith.constant 650 : i32
    %mul3A_2 = arith.muli %add3A, %mul3A_1 : i32
    %jit3A = arith.constant 32 : i32
    %div3A = arith.divsi %mul3A_2, %jit3A : i32
    %sign3A = arith.constant 0 : i32
    %sign3A_3 = arith.cmpi sgt, %mul3A_2, %sign3A : i32
    %sign3A_4 = arith.extui %sign3A_3 : i1 to i32
    %sign3A_5 = arith.constant 0 : i32
    %sign3A_6 = arith.cmpi slt, %mul3A_2, %sign3A_5 : i32
    %sign3A_7 = arith.extui %sign3A_6 : i1 to i32
    %sign3A_8 = arith.subi %sign3A_4, %sign3A_7 : i32
    %sign3A_9 = arith.constant 0 : i32
    %sign3A_10 = arith.cmpi sgt, %jit3A, %sign3A_9 : i32
    %sign3A_11 = arith.extui %sign3A_10 : i1 to i32
    %sign3A_12 = arith.constant 0 : i32
    %sign3A_13 = arith.cmpi slt, %jit3A, %sign3A_12 : i32
    %sign3A_14 = arith.extui %sign3A_13 : i1 to i32
    %sign3A_15 = arith.subi %sign3A_11, %sign3A_14 : i32
    %ne3A = arith.cmpi ne, %sign3A_8, %sign3A_15 : i32
    %rem3A = arith.remsi %mul3A_2, %jit3A : i32
    %ne3A_16 = arith.constant 0 : i32
    %ne3A_17 = arith.cmpi ne, %rem3A, %ne3A_16 : i32
    %and3A = arith.andi %ne3A, %ne3A_17 : i1
    %sub3A = arith.constant 1 : i32
    %sub3A_18 = arith.subi %div3A, %sub3A : i32
    %select_n3A = arith.select %and3A, %sub3A_18, %div3A : i32
    %add3A_19 = arith.constant 1 : i32
    %add3A_20 = arith.addi %add3A, %add3A_19 : i32
    %mul3A_21 = arith.constant 650 : i32
    %mul3A_22 = arith.muli %add3A_20, %mul3A_21 : i32
    %jit3A_23 = arith.constant 32 : i32
    %div3A_24 = arith.divsi %mul3A_22, %jit3A_23 : i32
    %sign3A_25 = arith.constant 0 : i32
    %sign3A_26 = arith.cmpi sgt, %mul3A_22, %sign3A_25 : i32
    %sign3A_27 = arith.extui %sign3A_26 : i1 to i32
    %sign3A_28 = arith.constant 0 : i32
    %sign3A_29 = arith.cmpi slt, %mul3A_22, %sign3A_28 : i32
    %sign3A_30 = arith.extui %sign3A_29 : i1 to i32
    %sign3A_31 = arith.subi %sign3A_27, %sign3A_30 : i32
    %sign3A_32 = arith.constant 0 : i32
    %sign3A_33 = arith.cmpi sgt, %jit3A_23, %sign3A_32 : i32
    %sign3A_34 = arith.extui %sign3A_33 : i1 to i32
    %sign3A_35 = arith.constant 0 : i32
    %sign3A_36 = arith.cmpi slt, %jit3A_23, %sign3A_35 : i32
    %sign3A_37 = arith.extui %sign3A_36 : i1 to i32
    %sign3A_38 = arith.subi %sign3A_34, %sign3A_37 : i32
    %ne3A_39 = arith.cmpi ne, %sign3A_31, %sign3A_38 : i32
    %rem3A_40 = arith.remsi %mul3A_22, %jit3A_23 : i32
    %ne3A_41 = arith.constant 0 : i32
    %ne3A_42 = arith.cmpi ne, %rem3A_40, %ne3A_41 : i32
    %and3A_43 = arith.andi %ne3A_39, %ne3A_42 : i1
    %sub3A_44 = arith.constant 1 : i32
    %sub3A_45 = arith.subi %div3A_24, %sub3A_44 : i32
    %select_n3A_46 = arith.select %and3A_43, %sub3A_45, %div3A_24 : i32
    %jit3A_47 = arith.constant 25 : i32
    %div3A_48 = arith.divsi %select_n3A, %jit3A_47 : i32
    %sign3A_49 = arith.constant 0 : i32
    %sign3A_50 = arith.cmpi sgt, %select_n3A, %sign3A_49 : i32
    %sign3A_51 = arith.extui %sign3A_50 : i1 to i32
    %sign3A_52 = arith.constant 0 : i32
    %sign3A_53 = arith.cmpi slt, %select_n3A, %sign3A_52 : i32
    %sign3A_54 = arith.extui %sign3A_53 : i1 to i32
    %sign3A_55 = arith.subi %sign3A_51, %sign3A_54 : i32
    %sign3A_56 = arith.constant 0 : i32
    %sign3A_57 = arith.cmpi sgt, %jit3A_47, %sign3A_56 : i32
    %sign3A_58 = arith.extui %sign3A_57 : i1 to i32
    %sign3A_59 = arith.constant 0 : i32
    %sign3A_60 = arith.cmpi slt, %jit3A_47, %sign3A_59 : i32
    %sign3A_61 = arith.extui %sign3A_60 : i1 to i32
    %sign3A_62 = arith.subi %sign3A_58, %sign3A_61 : i32
    %ne3A_63 = arith.cmpi ne, %sign3A_55, %sign3A_62 : i32
    %rem3A_64 = arith.remsi %select_n3A, %jit3A_47 : i32
    %ne3A_65 = arith.constant 0 : i32
    %ne3A_66 = arith.cmpi ne, %rem3A_64, %ne3A_65 : i32
    %and3A_67 = arith.andi %ne3A_63, %ne3A_66 : i1
    %sub3A_68 = arith.constant 1 : i32
    %sub3A_69 = arith.subi %div3A_48, %sub3A_68 : i32
    %select_n3A_70 = arith.select %and3A_67, %sub3A_69, %div3A_48 : i32
    %min3A = arith.constant 24 : i32
    %min3A_71 = arith.minsi %select_n3A_70, %min3A : i32
    %mul3A_72 = arith.constant 1024 : i32
    %mul3A_73 = arith.muli %min3A_71, %mul3A_72 : i32
    "tpu.region"() ({
      %run_scoped3A = tpu.sem_alloc : memref<!tpu.dma_semaphore, #tpu.memory_space<semaphore_mem>>
      %dma_start3A = tpu.memref_slice %arg2[%mul3A_73] : memref<26624xi32, #tpu.memory_space<hbm>> -> memref<2048xi32, #tpu.memory_space<hbm>>
      %dma_start3A_153 = tpu.memref_slice %arg2[%mul3A_73] : memref<26624xi32, #tpu.memory_space<hbm>> -> memref<2048xi32, #tpu.memory_space<hbm>>
      tpu.enqueue_dma source(%dma_start3A_153 : memref<2048xi32, #tpu.memory_space<hbm>>) target(%arg4 : memref<2048xi32, #tpu.memory_space<vmem>>) target_semaphore(%run_scoped3A : memref<!tpu.dma_semaphore, #tpu.memory_space<semaphore_mem>>)
      %dma_wait3A_154 = tpu.memref_slice %arg2[%mul3A_73] : memref<26624xi32, #tpu.memory_space<hbm>> -> memref<2048xi32, #tpu.memory_space<hbm>>
      %dma_wait3A_155 = tpu.memref_slice %arg2[%mul3A_73] : memref<26624xi32, #tpu.memory_space<hbm>> -> memref<2048xi32, #tpu.memory_space<hbm>>
      tpu.wait_dma2 semaphore(%run_scoped3A : memref<!tpu.dma_semaphore, #tpu.memory_space<semaphore_mem>>) src(%dma_wait3A_155 : memref<2048xi32, #tpu.memory_space<hbm>>) dst(%arg4 : memref<2048xi32, #tpu.memory_space<vmem>>)
      tpu.yield
    }) : () -> ()
    %broadcast_in_dim3A = arith.constant 0.000000e+00 : f32
    %broadcast_in_dim3A_74 = vector.broadcast %broadcast_in_dim3A : f32 to vector<16xf32>
    %broadcast_in_dim3A_75 = arith.constant 1.000000e+00 : f32
    %broadcast_in_dim3A_76 = vector.broadcast %broadcast_in_dim3A_75 : f32 to vector<16xf32>
    %iota3A = tpu.iota {dimensions = array<i32: 0>} : vector<16xi32>
    %scan3A = arith.constant 0 : i32
    %scan3A_77 = arith.constant 0 : i32
    %scan3A_78 = arith.constant 80 : i32
    %scan3A_79 = arith.addi %scan3A_77, %scan3A_78 : i32
    %scan3A_80 = arith.constant 1 : i32
    scf.for %scan3A_153 = %scan3A_77 to %scan3A_79 step %scan3A_80  : i32 {
      %scan3A_154 = arith.constant 0 : i32
      %scan3A_155 = arith.constant 64 : i32
      %scan3A_156 = arith.addi %scan3A_154, %scan3A_155 : i32
      %scan3A_157 = arith.constant 1 : i32
      scf.for %scan3A_159 = %scan3A_154 to %scan3A_156 step %scan3A_157  : i32 {
        %jit3A_160 = arith.constant 40 : i32
        %div3A_161 = arith.divsi %scan3A_153, %jit3A_160 : i32
        %sign3A_162 = arith.constant 0 : i32
        %sign3A_163 = arith.cmpi sgt, %scan3A_153, %sign3A_162 : i32
        %sign3A_164 = arith.extui %sign3A_163 : i1 to i32
        %sign3A_165 = arith.constant 0 : i32
        %sign3A_166 = arith.cmpi slt, %scan3A_153, %sign3A_165 : i32
        %sign3A_167 = arith.extui %sign3A_166 : i1 to i32
        %sign3A_168 = arith.subi %sign3A_164, %sign3A_167 : i32
        %sign3A_169 = arith.constant 0 : i32
        %sign3A_170 = arith.cmpi sgt, %jit3A_160, %sign3A_169 : i32
        %sign3A_171 = arith.extui %sign3A_170 : i1 to i32
        %sign3A_172 = arith.constant 0 : i32
        %sign3A_173 = arith.cmpi slt, %jit3A_160, %sign3A_172 : i32
        %sign3A_174 = arith.extui %sign3A_173 : i1 to i32
        %sign3A_175 = arith.subi %sign3A_171, %sign3A_174 : i32
        %ne3A_176 = arith.cmpi ne, %sign3A_168, %sign3A_175 : i32
        %rem3A_177 = arith.remsi %scan3A_153, %jit3A_160 : i32
        %ne3A_178 = arith.constant 0 : i32
        %ne3A_179 = arith.cmpi ne, %rem3A_177, %ne3A_178 : i32
        %and3A_180 = arith.andi %ne3A_176, %ne3A_179 : i1
        %sub3A_181 = arith.constant 1 : i32
        %sub3A_182 = arith.subi %div3A_161, %sub3A_181 : i32
        %select_n3A_183 = arith.select %and3A_180, %sub3A_182, %div3A_161 : i32
        %jit3A_184 = arith.constant 40 : i32
        %eq3A = arith.constant 0 : i32
        %eq3A_185 = arith.cmpi eq, %jit3A_184, %eq3A : i32
        %jit3A_186 = arith.constant 1 : i32
        %select_n3A_187 = arith.select %eq3A_185, %jit3A_186, %jit3A_184 : i32
        %rem3A_188 = arith.remsi %scan3A_153, %select_n3A_187 : i32
        %ne3A_189 = arith.constant 0 : i32
        %ne3A_190 = arith.cmpi ne, %rem3A_188, %ne3A_189 : i32
        %lt3A = arith.constant 0 : i32
        %lt3A_191 = arith.cmpi slt, %rem3A_188, %lt3A : i32
        %lt3A_192 = arith.constant 0 : i32
        %lt3A_193 = arith.cmpi slt, %select_n3A_187, %lt3A_192 : i32
        %ne3A_194 = arith.xori %lt3A_191, %lt3A_193 : i1
        %and3A_195 = arith.andi %ne3A_194, %ne3A_190 : i1
        %add3A_196 = arith.addi %rem3A_188, %select_n3A_187 : i32
        %select_n3A_197 = arith.select %and3A_195, %add3A_196, %rem3A_188 : i32
        %mul3A_198 = arith.constant 16 : i32
        %mul3A_199 = arith.muli %scan3A_159, %mul3A_198 : i32
        %swap3A = arith.index_cast %select_n3A_183 : i32 to index
        %swap3A_200 = arith.index_cast %select_n3A_197 : i32 to index
        %swap3A_201 = arith.index_cast %mul3A_199 : i32 to index
        %swap3A_202 = tpu.vector_load %arg5[%swap3A, %swap3A_200, %swap3A_201] {strides = array<i32>} : memref<2x40x1024xf32, #tpu.memory_space<vmem>>, vector<16xf32>,
        tpu.vector_store %arg5[%swap3A, %swap3A_200, %swap3A_201], %broadcast_in_dim3A_74 {strides = array<i32>} : memref<2x40x1024xf32, #tpu.memory_space<vmem>>, vector<16xf32>,
      }
      %scan3A_158 = arith.constant 64 : i32
    }
    %scan3A_81 = arith.constant 80 : i32
    %sub3A_82 = arith.subi %select_n3A_46, %select_n3A : i32
    %add3A_83 = arith.constant 1 : i32
    %add3A_84 = arith.addi %sub3A_82, %add3A_83 : i32
    %jit3A_85 = arith.constant 2 : i32
    %div3A_86 = arith.divsi %add3A_84, %jit3A_85 : i32
    %sign3A_87 = arith.constant 0 : i32
    %sign3A_88 = arith.cmpi sgt, %add3A_84, %sign3A_87 : i32
    %sign3A_89 = arith.extui %sign3A_88 : i1 to i32
    %sign3A_90 = arith.constant 0 : i32
    %sign3A_91 = arith.cmpi slt, %add3A_84, %sign3A_90 : i32
    %sign3A_92 = arith.extui %sign3A_91 : i1 to i32
    %sign3A_93 = arith.subi %sign3A_89, %sign3A_92 : i32
    %sign3A_94 = arith.constant 0 : i32
    %sign3A_95 = arith.cmpi sgt, %jit3A_85, %sign3A_94 : i32
    %sign3A_96 = arith.extui %sign3A_95 : i1 to i32
    %sign3A_97 = arith.constant 0 : i32
    %sign3A_98 = arith.cmpi slt, %jit3A_85, %sign3A_97 : i32
    %sign3A_99 = arith.extui %sign3A_98 : i1 to i32
    %sign3A_100 = arith.subi %sign3A_96, %sign3A_99 : i32
    %ne3A_101 = arith.cmpi ne, %sign3A_93, %sign3A_100 : i32
    %rem3A_102 = arith.remsi %add3A_84, %jit3A_85 : i32
    %ne3A_103 = arith.constant 0 : i32
    %ne3A_104 = arith.cmpi ne, %rem3A_102, %ne3A_103 : i32
    %and3A_105 = arith.andi %ne3A_101, %ne3A_104 : i1
    %sub3A_106 = arith.constant 1 : i32
    %sub3A_107 = arith.subi %div3A_86, %sub3A_106 : i32
    %select_n3A_108 = arith.select %and3A_105, %sub3A_107, %div3A_86 : i32
    %while3A = arith.constant 0 : i32
    %while3A_109 = arith.constant 0 : i32
    %while3A_110 = arith.subi %select_n3A_108, %while3A_109 : i32
    %while3A_111 = arith.addi %while3A_109, %while3A_110 : i32
    %while3A_112 = arith.constant 1 : i32
    %while3A_113 = arith.divsi %while3A_110, %while3A_112 : i32
    %while3A_114 = arith.muli %while3A_113, %while3A_112 : i32
    %while3A_115 = arith.addi %while3A_109, %while3A_114 : i32
    %while3A_116 = arith.constant 1 : i32
    scf.for %while3A_153 = %while3A_109 to %while3A_115 step %while3A_116  : i32 {
      %mul3A_154 = arith.constant 2 : i32
      %mul3A_155 = arith.muli %while3A_153, %mul3A_154 : i32
      %add3A_156 = arith.addi %select_n3A, %mul3A_155 : i32
      %add3A_157 = arith.constant 0 : i32
      %add3A_158 = arith.addi %add3A_156, %add3A_157 : i32
      %lt3A = arith.cmpi slt, %add3A_158, %select_n3A_46 : i32
      %convert_element_type3A = arith.extui %lt3A : i1 to i32
      %cond3A = arith.constant 0 : i32
      %cond3A_159 = arith.cmpi ne, %convert_element_type3A, %cond3A : i32
      scf.if %cond3A_159 {
        %gt3A = arith.constant 0 : i32
        %gt3A_169 = arith.cmpi sgt, %while3A_153, %gt3A : i32
        %convert_element_type3A_170 = arith.extui %gt3A_169 : i1 to i32
        %cond3A_171 = arith.constant 0 : i32
        %cond3A_172 = arith.cmpi ne, %convert_element_type3A_170, %cond3A_171 : i32
        scf.if %cond3A_172 {
          %dma_wait3A_279 = arith.constant 0 : i32
          %dma_wait3A_280 = arith.constant 0 : i32
          %dma_wait3A_281 = arith.constant 0 : i32
          %dma_wait3A_282 = arith.constant 0 : i32
          %dma_wait3A_283 = tpu.memref_slice %arg5[%dma_wait3A_280, %dma_wait3A_281, %dma_wait3A_282] : memref<2x40x1024xf32, #tpu.memory_space<vmem>> -> memref<1x40x1024xf32, #tpu.memory_space<vmem>>
          %dma_wait3A_284 = tpu.memref_squeeze %dma_wait3A_283 : memref<1x40x1024xf32, #tpu.memory_space<vmem>> -> memref<40x1024xf32, #tpu.memory_space<vmem>>
          %dma_wait3A_285 = arith.constant 0 : i32
          %dma_wait3A_286 = arith.constant 0 : i32
          %dma_wait3A_287 = tpu.memref_slice %arg3[%dma_wait3A_279, %dma_wait3A_285, %dma_wait3A_286] : memref<26x1000x1024xf32, #tpu.memory_space<hbm>> -> memref<1x40x1024xf32, #tpu.memory_space<hbm>>
          %dma_wait3A_288 = tpu.memref_squeeze %dma_wait3A_287 : memref<1x40x1024xf32, #tpu.memory_space<hbm>> -> memref<40x1024xf32, #tpu.memory_space<hbm>>
          %dma_wait3A_289 = arith.constant 0 : i32
          %dma_wait3A_290 = arith.constant 0 : i32
          %dma_wait3A_291 = tpu.memref_slice %arg5[%dma_wait3A_280, %dma_wait3A_289, %dma_wait3A_290] : memref<2x40x1024xf32, #tpu.memory_space<vmem>> -> memref<1x40x1024xf32, #tpu.memory_space<vmem>>
          %dma_wait3A_292 = tpu.memref_squeeze %dma_wait3A_291 : memref<1x40x1024xf32, #tpu.memory_space<vmem>> -> memref<40x1024xf32, #tpu.memory_space<vmem>>
          %dma_wait3A_293 = arith.constant 0 : i32
          %dma_wait3A_294 = arith.constant 0 : i32
          %dma_wait3A_295 = tpu.memref_slice %arg3[%dma_wait3A_279, %dma_wait3A_293, %dma_wait3A_294] : memref<26x1000x1024xf32, #tpu.memory_space<hbm>> -> memref<1x40x1024xf32, #tpu.memory_space<hbm>>
          %dma_wait3A_296 = tpu.memref_squeeze %dma_wait3A_295 : memref<1x40x1024xf32, #tpu.memory_space<hbm>> -> memref<40x1024xf32, #tpu.memory_space<hbm>>
          tpu.wait_dma2 semaphore(%arg6 : memref<!tpu.dma_semaphore, #tpu.memory_space<semaphore_mem>>) src(%dma_wait3A_296 : memref<40x1024xf32, #tpu.memory_space<hbm>>) dst(%dma_wait3A_292 : memref<40x1024xf32, #tpu.memory_space<vmem>>)
          %sub3A_297 = arith.constant 2 : i32
          %sub3A_298 = arith.subi %add3A_158, %sub3A_297 : i32
          %jit3A_299 = arith.constant 25 : i32
          %div3A_300 = arith.divsi %sub3A_298, %jit3A_299 : i32
          %sign3A_301 = arith.constant 0 : i32
          %sign3A_302 = arith.cmpi sgt, %sub3A_298, %sign3A_301 : i32
          %sign3A_303 = arith.extui %sign3A_302 : i1 to i32
          %sign3A_304 = arith.constant 0 : i32
          %sign3A_305 = arith.cmpi slt, %sub3A_298, %sign3A_304 : i32
          %sign3A_306 = arith.extui %sign3A_305 : i1 to i32
          %sign3A_307 = arith.subi %sign3A_303, %sign3A_306 : i32
          %sign3A_308 = arith.constant 0 : i32
          %sign3A_309 = arith.cmpi sgt, %jit3A_299, %sign3A_308 : i32
          %sign3A_310 = arith.extui %sign3A_309 : i1 to i32
          %sign3A_311 = arith.constant 0 : i32
          %sign3A_312 = arith.cmpi slt, %jit3A_299, %sign3A_311 : i32
          %sign3A_313 = arith.extui %sign3A_312 : i1 to i32
          %sign3A_314 = arith.subi %sign3A_310, %sign3A_313 : i32
          %ne3A_315 = arith.cmpi ne, %sign3A_307, %sign3A_314 : i32
          %rem3A_316 = arith.remsi %sub3A_298, %jit3A_299 : i32
          %ne3A_317 = arith.constant 0 : i32
          %ne3A_318 = arith.cmpi ne, %rem3A_316, %ne3A_317 : i32
          %and3A_319 = arith.andi %ne3A_315, %ne3A_318 : i1
          %sub3A_320 = arith.constant 1 : i32
          %sub3A_321 = arith.subi %div3A_300, %sub3A_320 : i32
          %select_n3A_322 = arith.select %and3A_319, %sub3A_321, %div3A_300 : i32
          %sub3A_323 = arith.subi %select_n3A_322, %min3A_71 : i32
          %jit3A_324 = arith.constant 25 : i32
          %eq3A_325 = arith.constant 0 : i32
          %eq3A_326 = arith.cmpi eq, %jit3A_324, %eq3A_325 : i32
          %jit3A_327 = arith.constant 1 : i32
          %select_n3A_328 = arith.select %eq3A_326, %jit3A_327, %jit3A_324 : i32
          %rem3A_329 = arith.remsi %sub3A_298, %select_n3A_328 : i32
          %ne3A_330 = arith.constant 0 : i32
          %ne3A_331 = arith.cmpi ne, %rem3A_329, %ne3A_330 : i32
          %lt3A_332 = arith.constant 0 : i32
          %lt3A_333 = arith.cmpi slt, %rem3A_329, %lt3A_332 : i32
          %lt3A_334 = arith.constant 0 : i32
          %lt3A_335 = arith.cmpi slt, %select_n3A_328, %lt3A_334 : i32
          %ne3A_336 = arith.xori %lt3A_333, %lt3A_335 : i1
          %and3A_337 = arith.andi %ne3A_336, %ne3A_331 : i1
          %add3A_338 = arith.addi %rem3A_329, %select_n3A_328 : i32
          %select_n3A_339 = arith.select %and3A_337, %add3A_338, %rem3A_329 : i32
          %mul3A_340 = arith.constant 40 : i32
          %mul3A_341 = arith.muli %select_n3A_339, %mul3A_340 : i32
          %broadcast_in_dim3A_342 = arith.constant 0 : i32
          %broadcast_in_dim3A_343 = vector.broadcast %broadcast_in_dim3A_342 : i32 to vector<16xi32>
          %scan3A_344 = arith.constant 0 : i32
          %scan3A_345 = arith.constant 0 : i32
          %scan3A_346 = arith.constant 64 : i32
          %scan3A_347 = arith.addi %scan3A_345, %scan3A_346 : i32
          %scan3A_348 = arith.constant 1 : i32
          scf.for %scan3A_350 = %scan3A_345 to %scan3A_347 step %scan3A_348  : i32 {
            %mul3A_351 = arith.constant 1024 : i32
            %mul3A_352 = arith.muli %sub3A_323, %mul3A_351 : i32
            %mul3A_353 = arith.constant 16 : i32
            %mul3A_354 = arith.muli %scan3A_350, %mul3A_353 : i32
            %add3A_355 = arith.addi %mul3A_352, %mul3A_354 : i32
            %get3A = arith.index_cast %add3A_355 : i32 to index
            %get3A_356 = tpu.vector_load %arg4[%get3A] {strides = array<i32>} : memref<2048xi32, #tpu.memory_space<vmem>>, vector<16xi32>,
            %ge3A = vector.broadcast %mul3A_341 : i32 to vector<16xi32>
            %ge3A_357 = arith.cmpi sge, %get3A_356, %ge3A : vector<16xi32>
            %add3A_358 = arith.constant 40 : i32
            %add3A_359 = arith.addi %mul3A_341, %add3A_358 : i32
            %lt3A_360 = vector.broadcast %add3A_359 : i32 to vector<16xi32>
            %lt3A_361 = arith.cmpi slt, %get3A_356, %lt3A_360 : vector<16xi32>
            %and3A_362 = arith.andi %ge3A_357, %lt3A_361 : vector<16xi1>
            %sub3A_363 = vector.broadcast %mul3A_341 : i32 to vector<16xi32>
            %sub3A_364 = arith.subi %get3A_356, %sub3A_363 : vector<16xi32>
            %mul3A_365 = arith.constant 16 : i32
            %mul3A_366 = arith.muli %scan3A_350, %mul3A_365 : i32
            %add3A_367 = vector.broadcast %mul3A_366 : i32 to vector<16xi32>
            %add3A_368 = arith.addi %iota3A, %add3A_367 : vector<16xi32>
            tpu.vector_store_idx %arg5[%broadcast_in_dim3A_343, %sub3A_364, %add3A_368], %broadcast_in_dim3A_74 masked %and3A_362 : memref<2x40x1024xf32, #tpu.memory_space<vmem>>[vector<16xi32>, vector<16xi32>, vector<16xi32>], vector<16xf32>, vector<16xi1>
          }
          %scan3A_349 = arith.constant 64 : i32
        } else {
        }
        %jit3A_173 = arith.constant 25 : i32
        %div3A_174 = arith.divsi %add3A_158, %jit3A_173 : i32
        %sign3A_175 = arith.constant 0 : i32
        %sign3A_176 = arith.cmpi sgt, %add3A_158, %sign3A_175 : i32
        %sign3A_177 = arith.extui %sign3A_176 : i1 to i32
        %sign3A_178 = arith.constant 0 : i32
        %sign3A_179 = arith.cmpi slt, %add3A_158, %sign3A_178 : i32
        %sign3A_180 = arith.extui %sign3A_179 : i1 to i32
        %sign3A_181 = arith.subi %sign3A_177, %sign3A_180 : i32
        %sign3A_182 = arith.constant 0 : i32
        %sign3A_183 = arith.cmpi sgt, %jit3A_173, %sign3A_182 : i32
        %sign3A_184 = arith.extui %sign3A_183 : i1 to i32
        %sign3A_185 = arith.constant 0 : i32
        %sign3A_186 = arith.cmpi slt, %jit3A_173, %sign3A_185 : i32
        %sign3A_187 = arith.extui %sign3A_186 : i1 to i32
        %sign3A_188 = arith.subi %sign3A_184, %sign3A_187 : i32
        %ne3A_189 = arith.cmpi ne, %sign3A_181, %sign3A_188 : i32
        %rem3A_190 = arith.remsi %add3A_158, %jit3A_173 : i32
        %ne3A_191 = arith.constant 0 : i32
        %ne3A_192 = arith.cmpi ne, %rem3A_190, %ne3A_191 : i32
        %and3A_193 = arith.andi %ne3A_189, %ne3A_192 : i1
        %sub3A_194 = arith.constant 1 : i32
        %sub3A_195 = arith.subi %div3A_174, %sub3A_194 : i32
        %select_n3A_196 = arith.select %and3A_193, %sub3A_195, %div3A_174 : i32
        %sub3A_197 = arith.subi %select_n3A_196, %min3A_71 : i32
        %jit3A_198 = arith.constant 25 : i32
        %eq3A = arith.constant 0 : i32
        %eq3A_199 = arith.cmpi eq, %jit3A_198, %eq3A : i32
        %jit3A_200 = arith.constant 1 : i32
        %select_n3A_201 = arith.select %eq3A_199, %jit3A_200, %jit3A_198 : i32
        %rem3A_202 = arith.remsi %add3A_158, %select_n3A_201 : i32
        %ne3A_203 = arith.constant 0 : i32
        %ne3A_204 = arith.cmpi ne, %rem3A_202, %ne3A_203 : i32
        %lt3A_205 = arith.constant 0 : i32
        %lt3A_206 = arith.cmpi slt, %rem3A_202, %lt3A_205 : i32
        %lt3A_207 = arith.constant 0 : i32
        %lt3A_208 = arith.cmpi slt, %select_n3A_201, %lt3A_207 : i32
        %ne3A_209 = arith.xori %lt3A_206, %lt3A_208 : i1
        %and3A_210 = arith.andi %ne3A_209, %ne3A_204 : i1
        %add3A_211 = arith.addi %rem3A_202, %select_n3A_201 : i32
        %select_n3A_212 = arith.select %and3A_210, %add3A_211, %rem3A_202 : i32
        %mul3A_213 = arith.constant 40 : i32
        %mul3A_214 = arith.muli %select_n3A_212, %mul3A_213 : i32
        %broadcast_in_dim3A_215 = arith.constant 0 : i32
        %broadcast_in_dim3A_216 = vector.broadcast %broadcast_in_dim3A_215 : i32 to vector<16xi32>
        %scan3A_217 = arith.constant 0 : i32
        %scan3A_218 = arith.constant 0 : i32
        %scan3A_219 = arith.constant 64 : i32
        %scan3A_220 = arith.addi %scan3A_218, %scan3A_219 : i32
        %scan3A_221 = arith.constant 1 : i32
        scf.for %scan3A_279 = %scan3A_218 to %scan3A_220 step %scan3A_221  : i32 {
          %mul3A_280 = arith.constant 1024 : i32
          %mul3A_281 = arith.muli %sub3A_197, %mul3A_280 : i32
          %mul3A_282 = arith.constant 16 : i32
          %mul3A_283 = arith.muli %scan3A_279, %mul3A_282 : i32
          %add3A_284 = arith.addi %mul3A_281, %mul3A_283 : i32
          %get3A = arith.index_cast %add3A_284 : i32 to index
          %get3A_285 = tpu.vector_load %arg4[%get3A] {strides = array<i32>} : memref<2048xi32, #tpu.memory_space<vmem>>, vector<16xi32>,
          %ge3A = vector.broadcast %mul3A_214 : i32 to vector<16xi32>
          %ge3A_286 = arith.cmpi sge, %get3A_285, %ge3A : vector<16xi32>
          %add3A_287 = arith.constant 40 : i32
          %add3A_288 = arith.addi %mul3A_214, %add3A_287 : i32
          %lt3A_289 = vector.broadcast %add3A_288 : i32 to vector<16xi32>
          %lt3A_290 = arith.cmpi slt, %get3A_285, %lt3A_289 : vector<16xi32>
          %and3A_291 = arith.andi %ge3A_286, %lt3A_290 : vector<16xi1>
          %sub3A_292 = vector.broadcast %mul3A_214 : i32 to vector<16xi32>
          %sub3A_293 = arith.subi %get3A_285, %sub3A_292 : vector<16xi32>
          %mul3A_294 = arith.constant 16 : i32
          %mul3A_295 = arith.muli %scan3A_279, %mul3A_294 : i32
          %add3A_296 = vector.broadcast %mul3A_295 : i32 to vector<16xi32>
          %add3A_297 = arith.addi %iota3A, %add3A_296 : vector<16xi32>
          tpu.vector_store_idx %arg5[%broadcast_in_dim3A_216, %sub3A_293, %add3A_297], %broadcast_in_dim3A_76 masked %and3A_291 : memref<2x40x1024xf32, #tpu.memory_space<vmem>>[vector<16xi32>, vector<16xi32>, vector<16xi32>], vector<16xf32>, vector<16xi1>
        }
        %scan3A_222 = arith.constant 64 : i32
        %jit3A_223 = arith.constant 25 : i32
        %div3A_224 = arith.divsi %add3A_158, %jit3A_223 : i32
        %sign3A_225 = arith.constant 0 : i32
        %sign3A_226 = arith.cmpi sgt, %add3A_158, %sign3A_225 : i32
        %sign3A_227 = arith.extui %sign3A_226 : i1 to i32
        %sign3A_228 = arith.constant 0 : i32
        %sign3A_229 = arith.cmpi slt, %add3A_158, %sign3A_228 : i32
        %sign3A_230 = arith.extui %sign3A_229 : i1 to i32
        %sign3A_231 = arith.subi %sign3A_227, %sign3A_230 : i32
        %sign3A_232 = arith.constant 0 : i32
        %sign3A_233 = arith.cmpi sgt, %jit3A_223, %sign3A_232 : i32
        %sign3A_234 = arith.extui %sign3A_233 : i1 to i32
        %sign3A_235 = arith.constant 0 : i32
        %sign3A_236 = arith.cmpi slt, %jit3A_223, %sign3A_235 : i32
        %sign3A_237 = arith.extui %sign3A_236 : i1 to i32
        %sign3A_238 = arith.subi %sign3A_234, %sign3A_237 : i32
        %ne3A_239 = arith.cmpi ne, %sign3A_231, %sign3A_238 : i32
        %rem3A_240 = arith.remsi %add3A_158, %jit3A_223 : i32
        %ne3A_241 = arith.constant 0 : i32
        %ne3A_242 = arith.cmpi ne, %rem3A_240, %ne3A_241 : i32
        %and3A_243 = arith.andi %ne3A_239, %ne3A_242 : i1
        %sub3A_244 = arith.constant 1 : i32
        %sub3A_245 = arith.subi %div3A_224, %sub3A_244 : i32
        %select_n3A_246 = arith.select %and3A_243, %sub3A_245, %div3A_224 : i32
        %jit3A_247 = arith.constant 25 : i32
        %eq3A_248 = arith.constant 0 : i32
        %eq3A_249 = arith.cmpi eq, %jit3A_247, %eq3A_248 : i32
        %jit3A_250 = arith.constant 1 : i32
        %select_n3A_251 = arith.select %eq3A_249, %jit3A_250, %jit3A_247 : i32
        %rem3A_252 = arith.remsi %add3A_158, %select_n3A_251 : i32
        %ne3A_253 = arith.constant 0 : i32
        %ne3A_254 = arith.cmpi ne, %rem3A_252, %ne3A_253 : i32
        %lt3A_255 = arith.constant 0 : i32
        %lt3A_256 = arith.cmpi slt, %rem3A_252, %lt3A_255 : i32
        %lt3A_257 = arith.constant 0 : i32
        %lt3A_258 = arith.cmpi slt, %select_n3A_251, %lt3A_257 : i32
        %ne3A_259 = arith.xori %lt3A_256, %lt3A_258 : i1
        %and3A_260 = arith.andi %ne3A_259, %ne3A_254 : i1
        %add3A_261 = arith.addi %rem3A_252, %select_n3A_251 : i32
        %select_n3A_262 = arith.select %and3A_260, %add3A_261, %rem3A_252 : i32
        %mul3A_263 = arith.constant 40 : i32
        %mul3A_264 = arith.muli %select_n3A_262, %mul3A_263 : i32
        %dma_start3A = arith.constant 0 : i32
        %dma_start3A_265 = arith.constant 0 : i32
        %dma_start3A_266 = arith.constant 0 : i32
        %dma_start3A_267 = tpu.memref_slice %arg5[%dma_start3A, %dma_start3A_265, %dma_start3A_266] : memref<2x40x1024xf32, #tpu.memory_space<vmem>> -> memref<1x40x1024xf32, #tpu.memory_space<vmem>>
        %dma_start3A_268 = tpu.memref_squeeze %dma_start3A_267 : memref<1x40x1024xf32, #tpu.memory_space<vmem>> -> memref<40x1024xf32, #tpu.memory_space<vmem>>
        %dma_start3A_269 = arith.constant 0 : i32
        %dma_start3A_270 = tpu.memref_slice %arg3[%select_n3A_246, %mul3A_264, %dma_start3A_269] : memref<26x1000x1024xf32, #tpu.memory_space<hbm>> -> memref<1x40x1024xf32, #tpu.memory_space<hbm>>
        %dma_start3A_271 = tpu.memref_squeeze %dma_start3A_270 : memref<1x40x1024xf32, #tpu.memory_space<hbm>> -> memref<40x1024xf32, #tpu.memory_space<hbm>>
        %dma_start3A_272 = arith.constant 0 : i32
        %dma_start3A_273 = tpu.memref_slice %arg3[%select_n3A_246, %mul3A_264, %dma_start3A_272] : memref<26x1000x1024xf32, #tpu.memory_space<hbm>> -> memref<1x40x1024xf32, #tpu.memory_space<hbm>>
        %dma_start3A_274 = tpu.memref_squeeze %dma_start3A_273 : memref<1x40x1024xf32, #tpu.memory_space<hbm>> -> memref<40x1024xf32, #tpu.memory_space<hbm>>
        %dma_start3A_275 = arith.constant 0 : i32
        %dma_start3A_276 = arith.constant 0 : i32
        %dma_start3A_277 = tpu.memref_slice %arg5[%dma_start3A, %dma_start3A_275, %dma_start3A_276] : memref<2x40x1024xf32, #tpu.memory_space<vmem>> -> memref<1x40x1024xf32, #tpu.memory_space<vmem>>
        %dma_start3A_278 = tpu.memref_squeeze %dma_start3A_277 : memref<1x40x1024xf32, #tpu.memory_space<vmem>> -> memref<40x1024xf32, #tpu.memory_space<vmem>>
        tpu.enqueue_dma source(%dma_start3A_278 : memref<40x1024xf32, #tpu.memory_space<vmem>>) target(%dma_start3A_274 : memref<40x1024xf32, #tpu.memory_space<hbm>>) target_semaphore(%arg6 : memref<!tpu.dma_semaphore, #tpu.memory_space<semaphore_mem>>)
      } else {
      }
      %mul3A_160 = arith.constant 2 : i32
      %mul3A_161 = arith.muli %while3A_153, %mul3A_160 : i32
      %add3A_162 = arith.addi %select_n3A, %mul3A_161 : i32
      %add3A_163 = arith.constant 1 : i32
      %add3A_164 = arith.addi %add3A_162, %add3A_163 : i32
      %lt3A_165 = arith.cmpi slt, %add3A_164, %select_n3A_46 : i32
      %convert_element_type3A_166 = arith.extui %lt3A_165 : i1 to i32
      %cond3A_167 = arith.constant 0 : i32
      %cond3A_168 = arith.cmpi ne, %convert_element_type3A_166, %cond3A_167 : i32
      scf.if %cond3A_168 {
        %gt3A = arith.constant 0 : i32
        %gt3A_169 = arith.cmpi sgt, %while3A_153, %gt3A : i32
        %convert_element_type3A_170 = arith.extui %gt3A_169 : i1 to i32
        %cond3A_171 = arith.constant 0 : i32
        %cond3A_172 = arith.cmpi ne, %convert_element_type3A_170, %cond3A_171 : i32
        scf.if %cond3A_172 {
          %dma_wait3A_279 = arith.constant 0 : i32
          %dma_wait3A_280 = arith.constant 1 : i32
          %dma_wait3A_281 = arith.constant 0 : i32
          %dma_wait3A_282 = arith.constant 0 : i32
          %dma_wait3A_283 = tpu.memref_slice %arg5[%dma_wait3A_280, %dma_wait3A_281, %dma_wait3A_282] : memref<2x40x1024xf32, #tpu.memory_space<vmem>> -> memref<1x40x1024xf32, #tpu.memory_space<vmem>>
          %dma_wait3A_284 = tpu.memref_squeeze %dma_wait3A_283 : memref<1x40x1024xf32, #tpu.memory_space<vmem>> -> memref<40x1024xf32, #tpu.memory_space<vmem>>
          %dma_wait3A_285 = arith.constant 0 : i32
          %dma_wait3A_286 = arith.constant 0 : i32
          %dma_wait3A_287 = tpu.memref_slice %arg3[%dma_wait3A_279, %dma_wait3A_285, %dma_wait3A_286] : memref<26x1000x1024xf32, #tpu.memory_space<hbm>> -> memref<1x40x1024xf32, #tpu.memory_space<hbm>>
          %dma_wait3A_288 = tpu.memref_squeeze %dma_wait3A_287 : memref<1x40x1024xf32, #tpu.memory_space<hbm>> -> memref<40x1024xf32, #tpu.memory_space<hbm>>
          %dma_wait3A_289 = arith.constant 0 : i32
          %dma_wait3A_290 = arith.constant 0 : i32
          %dma_wait3A_291 = tpu.memref_slice %arg5[%dma_wait3A_280, %dma_wait3A_289, %dma_wait3A_290] : memref<2x40x1024xf32, #tpu.memory_space<vmem>> -> memref<1x40x1024xf32, #tpu.memory_space<vmem>>
          %dma_wait3A_292 = tpu.memref_squeeze %dma_wait3A_291 : memref<1x40x1024xf32, #tpu.memory_space<vmem>> -> memref<40x1024xf32, #tpu.memory_space<vmem>>
          %dma_wait3A_293 = arith.constant 0 : i32
          %dma_wait3A_294 = arith.constant 0 : i32
          %dma_wait3A_295 = tpu.memref_slice %arg3[%dma_wait3A_279, %dma_wait3A_293, %dma_wait3A_294] : memref<26x1000x1024xf32, #tpu.memory_space<hbm>> -> memref<1x40x1024xf32, #tpu.memory_space<hbm>>
          %dma_wait3A_296 = tpu.memref_squeeze %dma_wait3A_295 : memref<1x40x1024xf32, #tpu.memory_space<hbm>> -> memref<40x1024xf32, #tpu.memory_space<hbm>>
          tpu.wait_dma2 semaphore(%arg7 : memref<!tpu.dma_semaphore, #tpu.memory_space<semaphore_mem>>) src(%dma_wait3A_296 : memref<40x1024xf32, #tpu.memory_space<hbm>>) dst(%dma_wait3A_292 : memref<40x1024xf32, #tpu.memory_space<vmem>>)
          %sub3A_297 = arith.constant 2 : i32
          %sub3A_298 = arith.subi %add3A_164, %sub3A_297 : i32
          %jit3A_299 = arith.constant 25 : i32
          %div3A_300 = arith.divsi %sub3A_298, %jit3A_299 : i32
          %sign3A_301 = arith.constant 0 : i32
          %sign3A_302 = arith.cmpi sgt, %sub3A_298, %sign3A_301 : i32
          %sign3A_303 = arith.extui %sign3A_302 : i1 to i32
          %sign3A_304 = arith.constant 0 : i32
          %sign3A_305 = arith.cmpi slt, %sub3A_298, %sign3A_304 : i32
          %sign3A_306 = arith.extui %sign3A_305 : i1 to i32
          %sign3A_307 = arith.subi %sign3A_303, %sign3A_306 : i32
          %sign3A_308 = arith.constant 0 : i32
          %sign3A_309 = arith.cmpi sgt, %jit3A_299, %sign3A_308 : i32
          %sign3A_310 = arith.extui %sign3A_309 : i1 to i32
          %sign3A_311 = arith.constant 0 : i32
          %sign3A_312 = arith.cmpi slt, %jit3A_299, %sign3A_311 : i32
          %sign3A_313 = arith.extui %sign3A_312 : i1 to i32
          %sign3A_314 = arith.subi %sign3A_310, %sign3A_313 : i32
          %ne3A_315 = arith.cmpi ne, %sign3A_307, %sign3A_314 : i32
          %rem3A_316 = arith.remsi %sub3A_298, %jit3A_299 : i32
          %ne3A_317 = arith.constant 0 : i32
          %ne3A_318 = arith.cmpi ne, %rem3A_316, %ne3A_317 : i32
          %and3A_319 = arith.andi %ne3A_315, %ne3A_318 : i1
          %sub3A_320 = arith.constant 1 : i32
          %sub3A_321 = arith.subi %div3A_300, %sub3A_320 : i32
          %select_n3A_322 = arith.select %and3A_319, %sub3A_321, %div3A_300 : i32
          %sub3A_323 = arith.subi %select_n3A_322, %min3A_71 : i32
          %jit3A_324 = arith.constant 25 : i32
          %eq3A_325 = arith.constant 0 : i32
          %eq3A_326 = arith.cmpi eq, %jit3A_324, %eq3A_325 : i32
          %jit3A_327 = arith.constant 1 : i32
          %select_n3A_328 = arith.select %eq3A_326, %jit3A_327, %jit3A_324 : i32
          %rem3A_329 = arith.remsi %sub3A_298, %select_n3A_328 : i32
          %ne3A_330 = arith.constant 0 : i32
          %ne3A_331 = arith.cmpi ne, %rem3A_329, %ne3A_330 : i32
          %lt3A_332 = arith.constant 0 : i32
          %lt3A_333 = arith.cmpi slt, %rem3A_329, %lt3A_332 : i32
          %lt3A_334 = arith.constant 0 : i32
          %lt3A_335 = arith.cmpi slt, %select_n3A_328, %lt3A_334 : i32
          %ne3A_336 = arith.xori %lt3A_333, %lt3A_335 : i1
          %and3A_337 = arith.andi %ne3A_336, %ne3A_331 : i1
          %add3A_338 = arith.addi %rem3A_329, %select_n3A_328 : i32
          %select_n3A_339 = arith.select %and3A_337, %add3A_338, %rem3A_329 : i32
          %mul3A_340 = arith.constant 40 : i32
          %mul3A_341 = arith.muli %select_n3A_339, %mul3A_340 : i32
          %broadcast_in_dim3A_342 = arith.constant 1 : i32
          %broadcast_in_dim3A_343 = vector.broadcast %broadcast_in_dim3A_342 : i32 to vector<16xi32>
          %scan3A_344 = arith.constant 0 : i32
          %scan3A_345 = arith.constant 0 : i32
          %scan3A_346 = arith.constant 64 : i32
          %scan3A_347 = arith.addi %scan3A_345, %scan3A_346 : i32
          %scan3A_348 = arith.constant 1 : i32
          scf.for %scan3A_350 = %scan3A_345 to %scan3A_347 step %scan3A_348  : i32 {
            %mul3A_351 = arith.constant 1024 : i32
            %mul3A_352 = arith.muli %sub3A_323, %mul3A_351 : i32
            %mul3A_353 = arith.constant 16 : i32
            %mul3A_354 = arith.muli %scan3A_350, %mul3A_353 : i32
            %add3A_355 = arith.addi %mul3A_352, %mul3A_354 : i32
            %get3A = arith.index_cast %add3A_355 : i32 to index
            %get3A_356 = tpu.vector_load %arg4[%get3A] {strides = array<i32>} : memref<2048xi32, #tpu.memory_space<vmem>>, vector<16xi32>,
            %ge3A = vector.broadcast %mul3A_341 : i32 to vector<16xi32>
            %ge3A_357 = arith.cmpi sge, %get3A_356, %ge3A : vector<16xi32>
            %add3A_358 = arith.constant 40 : i32
            %add3A_359 = arith.addi %mul3A_341, %add3A_358 : i32
            %lt3A_360 = vector.broadcast %add3A_359 : i32 to vector<16xi32>
            %lt3A_361 = arith.cmpi slt, %get3A_356, %lt3A_360 : vector<16xi32>
            %and3A_362 = arith.andi %ge3A_357, %lt3A_361 : vector<16xi1>
            %sub3A_363 = vector.broadcast %mul3A_341 : i32 to vector<16xi32>
            %sub3A_364 = arith.subi %get3A_356, %sub3A_363 : vector<16xi32>
            %mul3A_365 = arith.constant 16 : i32
            %mul3A_366 = arith.muli %scan3A_350, %mul3A_365 : i32
            %add3A_367 = vector.broadcast %mul3A_366 : i32 to vector<16xi32>
            %add3A_368 = arith.addi %iota3A, %add3A_367 : vector<16xi32>
            tpu.vector_store_idx %arg5[%broadcast_in_dim3A_343, %sub3A_364, %add3A_368], %broadcast_in_dim3A_74 masked %and3A_362 : memref<2x40x1024xf32, #tpu.memory_space<vmem>>[vector<16xi32>, vector<16xi32>, vector<16xi32>], vector<16xf32>, vector<16xi1>
          }
          %scan3A_349 = arith.constant 64 : i32
        } else {
        }
        %jit3A_173 = arith.constant 25 : i32
        %div3A_174 = arith.divsi %add3A_164, %jit3A_173 : i32
        %sign3A_175 = arith.constant 0 : i32
        %sign3A_176 = arith.cmpi sgt, %add3A_164, %sign3A_175 : i32
        %sign3A_177 = arith.extui %sign3A_176 : i1 to i32
        %sign3A_178 = arith.constant 0 : i32
        %sign3A_179 = arith.cmpi slt, %add3A_164, %sign3A_178 : i32
        %sign3A_180 = arith.extui %sign3A_179 : i1 to i32
        %sign3A_181 = arith.subi %sign3A_177, %sign3A_180 : i32
        %sign3A_182 = arith.constant 0 : i32
        %sign3A_183 = arith.cmpi sgt, %jit3A_173, %sign3A_182 : i32
        %sign3A_184 = arith.extui %sign3A_183 : i1 to i32
        %sign3A_185 = arith.constant 0 : i32
        %sign3A_186 = arith.cmpi slt, %jit3A_173, %sign3A_185 : i32
        %sign3A_187 = arith.extui %sign3A_186 : i1 to i32
        %sign3A_188 = arith.subi %sign3A_184, %sign3A_187 : i32
        %ne3A_189 = arith.cmpi ne, %sign3A_181, %sign3A_188 : i32
        %rem3A_190 = arith.remsi %add3A_164, %jit3A_173 : i32
        %ne3A_191 = arith.constant 0 : i32
        %ne3A_192 = arith.cmpi ne, %rem3A_190, %ne3A_191 : i32
        %and3A_193 = arith.andi %ne3A_189, %ne3A_192 : i1
        %sub3A_194 = arith.constant 1 : i32
        %sub3A_195 = arith.subi %div3A_174, %sub3A_194 : i32
        %select_n3A_196 = arith.select %and3A_193, %sub3A_195, %div3A_174 : i32
        %sub3A_197 = arith.subi %select_n3A_196, %min3A_71 : i32
        %jit3A_198 = arith.constant 25 : i32
        %eq3A = arith.constant 0 : i32
        %eq3A_199 = arith.cmpi eq, %jit3A_198, %eq3A : i32
        %jit3A_200 = arith.constant 1 : i32
        %select_n3A_201 = arith.select %eq3A_199, %jit3A_200, %jit3A_198 : i32
        %rem3A_202 = arith.remsi %add3A_164, %select_n3A_201 : i32
        %ne3A_203 = arith.constant 0 : i32
        %ne3A_204 = arith.cmpi ne, %rem3A_202, %ne3A_203 : i32
        %lt3A_205 = arith.constant 0 : i32
        %lt3A_206 = arith.cmpi slt, %rem3A_202, %lt3A_205 : i32
        %lt3A_207 = arith.constant 0 : i32
        %lt3A_208 = arith.cmpi slt, %select_n3A_201, %lt3A_207 : i32
        %ne3A_209 = arith.xori %lt3A_206, %lt3A_208 : i1
        %and3A_210 = arith.andi %ne3A_209, %ne3A_204 : i1
        %add3A_211 = arith.addi %rem3A_202, %select_n3A_201 : i32
        %select_n3A_212 = arith.select %and3A_210, %add3A_211, %rem3A_202 : i32
        %mul3A_213 = arith.constant 40 : i32
        %mul3A_214 = arith.muli %select_n3A_212, %mul3A_213 : i32
        %broadcast_in_dim3A_215 = arith.constant 1 : i32
        %broadcast_in_dim3A_216 = vector.broadcast %broadcast_in_dim3A_215 : i32 to vector<16xi32>
        %scan3A_217 = arith.constant 0 : i32
        %scan3A_218 = arith.constant 0 : i32
        %scan3A_219 = arith.constant 64 : i32
        %scan3A_220 = arith.addi %scan3A_218, %scan3A_219 : i32
        %scan3A_221 = arith.constant 1 : i32
        scf.for %scan3A_279 = %scan3A_218 to %scan3A_220 step %scan3A_221  : i32 {
          %mul3A_280 = arith.constant 1024 : i32
          %mul3A_281 = arith.muli %sub3A_197, %mul3A_280 : i32
          %mul3A_282 = arith.constant 16 : i32
          %mul3A_283 = arith.muli %scan3A_279, %mul3A_282 : i32
          %add3A_284 = arith.addi %mul3A_281, %mul3A_283 : i32
          %get3A = arith.index_cast %add3A_284 : i32 to index
          %get3A_285 = tpu.vector_load %arg4[%get3A] {strides = array<i32>} : memref<2048xi32, #tpu.memory_space<vmem>>, vector<16xi32>,
          %ge3A = vector.broadcast %mul3A_214 : i32 to vector<16xi32>
          %ge3A_286 = arith.cmpi sge, %get3A_285, %ge3A : vector<16xi32>
          %add3A_287 = arith.constant 40 : i32
          %add3A_288 = arith.addi %mul3A_214, %add3A_287 : i32
          %lt3A_289 = vector.broadcast %add3A_288 : i32 to vector<16xi32>
          %lt3A_290 = arith.cmpi slt, %get3A_285, %lt3A_289 : vector<16xi32>
          %and3A_291 = arith.andi %ge3A_286, %lt3A_290 : vector<16xi1>
          %sub3A_292 = vector.broadcast %mul3A_214 : i32 to vector<16xi32>
          %sub3A_293 = arith.subi %get3A_285, %sub3A_292 : vector<16xi32>
          %mul3A_294 = arith.constant 16 : i32
          %mul3A_295 = arith.muli %scan3A_279, %mul3A_294 : i32
          %add3A_296 = vector.broadcast %mul3A_295 : i32 to vector<16xi32>
          %add3A_297 = arith.addi %iota3A, %add3A_296 : vector<16xi32>
          tpu.vector_store_idx %arg5[%broadcast_in_dim3A_216, %sub3A_293, %add3A_297], %broadcast_in_dim3A_76 masked %and3A_291 : memref<2x40x1024xf32, #tpu.memory_space<vmem>>[vector<16xi32>, vector<16xi32>, vector<16xi32>], vector<16xf32>, vector<16xi1>
        }
        %scan3A_222 = arith.constant 64 : i32
        %jit3A_223 = arith.constant 25 : i32
        %div3A_224 = arith.divsi %add3A_164, %jit3A_223 : i32
        %sign3A_225 = arith.constant 0 : i32
        %sign3A_226 = arith.cmpi sgt, %add3A_164, %sign3A_225 : i32
        %sign3A_227 = arith.extui %sign3A_226 : i1 to i32
        %sign3A_228 = arith.constant 0 : i32
        %sign3A_229 = arith.cmpi slt, %add3A_164, %sign3A_228 : i32
        %sign3A_230 = arith.extui %sign3A_229 : i1 to i32
        %sign3A_231 = arith.subi %sign3A_227, %sign3A_230 : i32
        %sign3A_232 = arith.constant 0 : i32
        %sign3A_233 = arith.cmpi sgt, %jit3A_223, %sign3A_232 : i32
        %sign3A_234 = arith.extui %sign3A_233 : i1 to i32
        %sign3A_235 = arith.constant 0 : i32
        %sign3A_236 = arith.cmpi slt, %jit3A_223, %sign3A_235 : i32
        %sign3A_237 = arith.extui %sign3A_236 : i1 to i32
        %sign3A_238 = arith.subi %sign3A_234, %sign3A_237 : i32
        %ne3A_239 = arith.cmpi ne, %sign3A_231, %sign3A_238 : i32
        %rem3A_240 = arith.remsi %add3A_164, %jit3A_223 : i32
        %ne3A_241 = arith.constant 0 : i32
        %ne3A_242 = arith.cmpi ne, %rem3A_240, %ne3A_241 : i32
        %and3A_243 = arith.andi %ne3A_239, %ne3A_242 : i1
        %sub3A_244 = arith.constant 1 : i32
        %sub3A_245 = arith.subi %div3A_224, %sub3A_244 : i32
        %select_n3A_246 = arith.select %and3A_243, %sub3A_245, %div3A_224 : i32
        %jit3A_247 = arith.constant 25 : i32
        %eq3A_248 = arith.constant 0 : i32
        %eq3A_249 = arith.cmpi eq, %jit3A_247, %eq3A_248 : i32
        %jit3A_250 = arith.constant 1 : i32
        %select_n3A_251 = arith.select %eq3A_249, %jit3A_250, %jit3A_247 : i32
        %rem3A_252 = arith.remsi %add3A_164, %select_n3A_251 : i32
        %ne3A_253 = arith.constant 0 : i32
        %ne3A_254 = arith.cmpi ne, %rem3A_252, %ne3A_253 : i32
        %lt3A_255 = arith.constant 0 : i32
        %lt3A_256 = arith.cmpi slt, %rem3A_252, %lt3A_255 : i32
        %lt3A_257 = arith.constant 0 : i32
        %lt3A_258 = arith.cmpi slt, %select_n3A_251, %lt3A_257 : i32
        %ne3A_259 = arith.xori %lt3A_256, %lt3A_258 : i1
        %and3A_260 = arith.andi %ne3A_259, %ne3A_254 : i1
        %add3A_261 = arith.addi %rem3A_252, %select_n3A_251 : i32
        %select_n3A_262 = arith.select %and3A_260, %add3A_261, %rem3A_252 : i32
        %mul3A_263 = arith.constant 40 : i32
        %mul3A_264 = arith.muli %select_n3A_262, %mul3A_263 : i32
        %dma_start3A = arith.constant 1 : i32
        %dma_start3A_265 = arith.constant 0 : i32
        %dma_start3A_266 = arith.constant 0 : i32
        %dma_start3A_267 = tpu.memref_slice %arg5[%dma_start3A, %dma_start3A_265, %dma_start3A_266] : memref<2x40x1024xf32, #tpu.memory_space<vmem>> -> memref<1x40x1024xf32, #tpu.memory_space<vmem>>
        %dma_start3A_268 = tpu.memref_squeeze %dma_start3A_267 : memref<1x40x1024xf32, #tpu.memory_space<vmem>> -> memref<40x1024xf32, #tpu.memory_space<vmem>>
        %dma_start3A_269 = arith.constant 0 : i32
        %dma_start3A_270 = tpu.memref_slice %arg3[%select_n3A_246, %mul3A_264, %dma_start3A_269] : memref<26x1000x1024xf32, #tpu.memory_space<hbm>> -> memref<1x40x1024xf32, #tpu.memory_space<hbm>>
        %dma_start3A_271 = tpu.memref_squeeze %dma_start3A_270 : memref<1x40x1024xf32, #tpu.memory_space<hbm>> -> memref<40x1024xf32, #tpu.memory_space<hbm>>
        %dma_start3A_272 = arith.constant 0 : i32
        %dma_start3A_273 = tpu.memref_slice %arg3[%select_n3A_246, %mul3A_264, %dma_start3A_272] : memref<26x1000x1024xf32, #tpu.memory_space<hbm>> -> memref<1x40x1024xf32, #tpu.memory_space<hbm>>
        %dma_start3A_274 = tpu.memref_squeeze %dma_start3A_273 : memref<1x40x1024xf32, #tpu.memory_space<hbm>> -> memref<40x1024xf32, #tpu.memory_space<hbm>>
        %dma_start3A_275 = arith.constant 0 : i32
        %dma_start3A_276 = arith.constant 0 : i32
        %dma_start3A_277 = tpu.memref_slice %arg5[%dma_start3A, %dma_start3A_275, %dma_start3A_276] : memref<2x40x1024xf32, #tpu.memory_space<vmem>> -> memref<1x40x1024xf32, #tpu.memory_space<vmem>>
        %dma_start3A_278 = tpu.memref_squeeze %dma_start3A_277 : memref<1x40x1024xf32, #tpu.memory_space<vmem>> -> memref<40x1024xf32, #tpu.memory_space<vmem>>
        tpu.enqueue_dma source(%dma_start3A_278 : memref<40x1024xf32, #tpu.memory_space<vmem>>) target(%dma_start3A_274 : memref<40x1024xf32, #tpu.memory_space<hbm>>) target_semaphore(%arg7 : memref<!tpu.dma_semaphore, #tpu.memory_space<semaphore_mem>>)
      } else {
      }
    }
    %while3A_117 = arith.constant 1 : i32
    scf.for %while3A_153 = %while3A_115 to %while3A_111 step %while3A_117  : i32 {
      %mul3A_154 = arith.constant 2 : i32
      %mul3A_155 = arith.muli %while3A_153, %mul3A_154 : i32
      %add3A_156 = arith.addi %select_n3A, %mul3A_155 : i32
      %add3A_157 = arith.constant 0 : i32
      %add3A_158 = arith.addi %add3A_156, %add3A_157 : i32
      %lt3A = arith.cmpi slt, %add3A_158, %select_n3A_46 : i32
      %convert_element_type3A = arith.extui %lt3A : i1 to i32
      %cond3A = arith.constant 0 : i32
      %cond3A_159 = arith.cmpi ne, %convert_element_type3A, %cond3A : i32
      scf.if %cond3A_159 {
        %gt3A = arith.constant 0 : i32
        %gt3A_169 = arith.cmpi sgt, %while3A_153, %gt3A : i32
        %convert_element_type3A_170 = arith.extui %gt3A_169 : i1 to i32
        %cond3A_171 = arith.constant 0 : i32
        %cond3A_172 = arith.cmpi ne, %convert_element_type3A_170, %cond3A_171 : i32
        scf.if %cond3A_172 {
          %dma_wait3A_279 = arith.constant 0 : i32
          %dma_wait3A_280 = arith.constant 0 : i32
          %dma_wait3A_281 = arith.constant 0 : i32
          %dma_wait3A_282 = arith.constant 0 : i32
          %dma_wait3A_283 = tpu.memref_slice %arg5[%dma_wait3A_280, %dma_wait3A_281, %dma_wait3A_282] : memref<2x40x1024xf32, #tpu.memory_space<vmem>> -> memref<1x40x1024xf32, #tpu.memory_space<vmem>>
          %dma_wait3A_284 = tpu.memref_squeeze %dma_wait3A_283 : memref<1x40x1024xf32, #tpu.memory_space<vmem>> -> memref<40x1024xf32, #tpu.memory_space<vmem>>
          %dma_wait3A_285 = arith.constant 0 : i32
          %dma_wait3A_286 = arith.constant 0 : i32
          %dma_wait3A_287 = tpu.memref_slice %arg3[%dma_wait3A_279, %dma_wait3A_285, %dma_wait3A_286] : memref<26x1000x1024xf32, #tpu.memory_space<hbm>> -> memref<1x40x1024xf32, #tpu.memory_space<hbm>>
          %dma_wait3A_288 = tpu.memref_squeeze %dma_wait3A_287 : memref<1x40x1024xf32, #tpu.memory_space<hbm>> -> memref<40x1024xf32, #tpu.memory_space<hbm>>
          %dma_wait3A_289 = arith.constant 0 : i32
          %dma_wait3A_290 = arith.constant 0 : i32
          %dma_wait3A_291 = tpu.memref_slice %arg5[%dma_wait3A_280, %dma_wait3A_289, %dma_wait3A_290] : memref<2x40x1024xf32, #tpu.memory_space<vmem>> -> memref<1x40x1024xf32, #tpu.memory_space<vmem>>
          %dma_wait3A_292 = tpu.memref_squeeze %dma_wait3A_291 : memref<1x40x1024xf32, #tpu.memory_space<vmem>> -> memref<40x1024xf32, #tpu.memory_space<vmem>>
          %dma_wait3A_293 = arith.constant 0 : i32
          %dma_wait3A_294 = arith.constant 0 : i32
          %dma_wait3A_295 = tpu.memref_slice %arg3[%dma_wait3A_279, %dma_wait3A_293, %dma_wait3A_294] : memref<26x1000x1024xf32, #tpu.memory_space<hbm>> -> memref<1x40x1024xf32, #tpu.memory_space<hbm>>
          %dma_wait3A_296 = tpu.memref_squeeze %dma_wait3A_295 : memref<1x40x1024xf32, #tpu.memory_space<hbm>> -> memref<40x1024xf32, #tpu.memory_space<hbm>>
          tpu.wait_dma2 semaphore(%arg6 : memref<!tpu.dma_semaphore, #tpu.memory_space<semaphore_mem>>) src(%dma_wait3A_296 : memref<40x1024xf32, #tpu.memory_space<hbm>>) dst(%dma_wait3A_292 : memref<40x1024xf32, #tpu.memory_space<vmem>>)
          %sub3A_297 = arith.constant 2 : i32
          %sub3A_298 = arith.subi %add3A_158, %sub3A_297 : i32
          %jit3A_299 = arith.constant 25 : i32
          %div3A_300 = arith.divsi %sub3A_298, %jit3A_299 : i32
          %sign3A_301 = arith.constant 0 : i32
          %sign3A_302 = arith.cmpi sgt, %sub3A_298, %sign3A_301 : i32
          %sign3A_303 = arith.extui %sign3A_302 : i1 to i32
          %sign3A_304 = arith.constant 0 : i32
          %sign3A_305 = arith.cmpi slt, %sub3A_298, %sign3A_304 : i32
          %sign3A_306 = arith.extui %sign3A_305 : i1 to i32
          %sign3A_307 = arith.subi %sign3A_303, %sign3A_306 : i32
          %sign3A_308 = arith.constant 0 : i32
          %sign3A_309 = arith.cmpi sgt, %jit3A_299, %sign3A_308 : i32
          %sign3A_310 = arith.extui %sign3A_309 : i1 to i32
          %sign3A_311 = arith.constant 0 : i32
          %sign3A_312 = arith.cmpi slt, %jit3A_299, %sign3A_311 : i32
          %sign3A_313 = arith.extui %sign3A_312 : i1 to i32
          %sign3A_314 = arith.subi %sign3A_310, %sign3A_313 : i32
          %ne3A_315 = arith.cmpi ne, %sign3A_307, %sign3A_314 : i32
          %rem3A_316 = arith.remsi %sub3A_298, %jit3A_299 : i32
          %ne3A_317 = arith.constant 0 : i32
          %ne3A_318 = arith.cmpi ne, %rem3A_316, %ne3A_317 : i32
          %and3A_319 = arith.andi %ne3A_315, %ne3A_318 : i1
          %sub3A_320 = arith.constant 1 : i32
          %sub3A_321 = arith.subi %div3A_300, %sub3A_320 : i32
          %select_n3A_322 = arith.select %and3A_319, %sub3A_321, %div3A_300 : i32
          %sub3A_323 = arith.subi %select_n3A_322, %min3A_71 : i32
          %jit3A_324 = arith.constant 25 : i32
          %eq3A_325 = arith.constant 0 : i32
          %eq3A_326 = arith.cmpi eq, %jit3A_324, %eq3A_325 : i32
          %jit3A_327 = arith.constant 1 : i32
          %select_n3A_328 = arith.select %eq3A_326, %jit3A_327, %jit3A_324 : i32
          %rem3A_329 = arith.remsi %sub3A_298, %select_n3A_328 : i32
          %ne3A_330 = arith.constant 0 : i32
          %ne3A_331 = arith.cmpi ne, %rem3A_329, %ne3A_330 : i32
          %lt3A_332 = arith.constant 0 : i32
          %lt3A_333 = arith.cmpi slt, %rem3A_329, %lt3A_332 : i32
          %lt3A_334 = arith.constant 0 : i32
          %lt3A_335 = arith.cmpi slt, %select_n3A_328, %lt3A_334 : i32
          %ne3A_336 = arith.xori %lt3A_333, %lt3A_335 : i1
          %and3A_337 = arith.andi %ne3A_336, %ne3A_331 : i1
          %add3A_338 = arith.addi %rem3A_329, %select_n3A_328 : i32
          %select_n3A_339 = arith.select %and3A_337, %add3A_338, %rem3A_329 : i32
          %mul3A_340 = arith.constant 40 : i32
          %mul3A_341 = arith.muli %select_n3A_339, %mul3A_340 : i32
          %broadcast_in_dim3A_342 = arith.constant 0 : i32
          %broadcast_in_dim3A_343 = vector.broadcast %broadcast_in_dim3A_342 : i32 to vector<16xi32>
          %scan3A_344 = arith.constant 0 : i32
          %scan3A_345 = arith.constant 0 : i32
          %scan3A_346 = arith.constant 64 : i32
          %scan3A_347 = arith.addi %scan3A_345, %scan3A_346 : i32
          %scan3A_348 = arith.constant 1 : i32
          scf.for %scan3A_350 = %scan3A_345 to %scan3A_347 step %scan3A_348  : i32 {
            %mul3A_351 = arith.constant 1024 : i32
            %mul3A_352 = arith.muli %sub3A_323, %mul3A_351 : i32
            %mul3A_353 = arith.constant 16 : i32
            %mul3A_354 = arith.muli %scan3A_350, %mul3A_353 : i32
            %add3A_355 = arith.addi %mul3A_352, %mul3A_354 : i32
            %get3A = arith.index_cast %add3A_355 : i32 to index
            %get3A_356 = tpu.vector_load %arg4[%get3A] {strides = array<i32>} : memref<2048xi32, #tpu.memory_space<vmem>>, vector<16xi32>,
            %ge3A = vector.broadcast %mul3A_341 : i32 to vector<16xi32>
            %ge3A_357 = arith.cmpi sge, %get3A_356, %ge3A : vector<16xi32>
            %add3A_358 = arith.constant 40 : i32
            %add3A_359 = arith.addi %mul3A_341, %add3A_358 : i32
            %lt3A_360 = vector.broadcast %add3A_359 : i32 to vector<16xi32>
            %lt3A_361 = arith.cmpi slt, %get3A_356, %lt3A_360 : vector<16xi32>
            %and3A_362 = arith.andi %ge3A_357, %lt3A_361 : vector<16xi1>
            %sub3A_363 = vector.broadcast %mul3A_341 : i32 to vector<16xi32>
            %sub3A_364 = arith.subi %get3A_356, %sub3A_363 : vector<16xi32>
            %mul3A_365 = arith.constant 16 : i32
            %mul3A_366 = arith.muli %scan3A_350, %mul3A_365 : i32
            %add3A_367 = vector.broadcast %mul3A_366 : i32 to vector<16xi32>
            %add3A_368 = arith.addi %iota3A, %add3A_367 : vector<16xi32>
            tpu.vector_store_idx %arg5[%broadcast_in_dim3A_343, %sub3A_364, %add3A_368], %broadcast_in_dim3A_74 masked %and3A_362 : memref<2x40x1024xf32, #tpu.memory_space<vmem>>[vector<16xi32>, vector<16xi32>, vector<16xi32>], vector<16xf32>, vector<16xi1>
          }
          %scan3A_349 = arith.constant 64 : i32
        } else {
        }
        %jit3A_173 = arith.constant 25 : i32
        %div3A_174 = arith.divsi %add3A_158, %jit3A_173 : i32
        %sign3A_175 = arith.constant 0 : i32
        %sign3A_176 = arith.cmpi sgt, %add3A_158, %sign3A_175 : i32
        %sign3A_177 = arith.extui %sign3A_176 : i1 to i32
        %sign3A_178 = arith.constant 0 : i32
        %sign3A_179 = arith.cmpi slt, %add3A_158, %sign3A_178 : i32
        %sign3A_180 = arith.extui %sign3A_179 : i1 to i32
        %sign3A_181 = arith.subi %sign3A_177, %sign3A_180 : i32
        %sign3A_182 = arith.constant 0 : i32
        %sign3A_183 = arith.cmpi sgt, %jit3A_173, %sign3A_182 : i32
        %sign3A_184 = arith.extui %sign3A_183 : i1 to i32
        %sign3A_185 = arith.constant 0 : i32
        %sign3A_186 = arith.cmpi slt, %jit3A_173, %sign3A_185 : i32
        %sign3A_187 = arith.extui %sign3A_186 : i1 to i32
        %sign3A_188 = arith.subi %sign3A_184, %sign3A_187 : i32
        %ne3A_189 = arith.cmpi ne, %sign3A_181, %sign3A_188 : i32
        %rem3A_190 = arith.remsi %add3A_158, %jit3A_173 : i32
        %ne3A_191 = arith.constant 0 : i32
        %ne3A_192 = arith.cmpi ne, %rem3A_190, %ne3A_191 : i32
        %and3A_193 = arith.andi %ne3A_189, %ne3A_192 : i1
        %sub3A_194 = arith.constant 1 : i32
        %sub3A_195 = arith.subi %div3A_174, %sub3A_194 : i32
        %select_n3A_196 = arith.select %and3A_193, %sub3A_195, %div3A_174 : i32
        %sub3A_197 = arith.subi %select_n3A_196, %min3A_71 : i32
        %jit3A_198 = arith.constant 25 : i32
        %eq3A = arith.constant 0 : i32
        %eq3A_199 = arith.cmpi eq, %jit3A_198, %eq3A : i32
        %jit3A_200 = arith.constant 1 : i32
        %select_n3A_201 = arith.select %eq3A_199, %jit3A_200, %jit3A_198 : i32
        %rem3A_202 = arith.remsi %add3A_158, %select_n3A_201 : i32
        %ne3A_203 = arith.constant 0 : i32
        %ne3A_204 = arith.cmpi ne, %rem3A_202, %ne3A_203 : i32
        %lt3A_205 = arith.constant 0 : i32
        %lt3A_206 = arith.cmpi slt, %rem3A_202, %lt3A_205 : i32
        %lt3A_207 = arith.constant 0 : i32
        %lt3A_208 = arith.cmpi slt, %select_n3A_201, %lt3A_207 : i32
        %ne3A_209 = arith.xori %lt3A_206, %lt3A_208 : i1
        %and3A_210 = arith.andi %ne3A_209, %ne3A_204 : i1
        %add3A_211 = arith.addi %rem3A_202, %select_n3A_201 : i32
        %select_n3A_212 = arith.select %and3A_210, %add3A_211, %rem3A_202 : i32
        %mul3A_213 = arith.constant 40 : i32
        %mul3A_214 = arith.muli %select_n3A_212, %mul3A_213 : i32
        %broadcast_in_dim3A_215 = arith.constant 0 : i32
        %broadcast_in_dim3A_216 = vector.broadcast %broadcast_in_dim3A_215 : i32 to vector<16xi32>
        %scan3A_217 = arith.constant 0 : i32
        %scan3A_218 = arith.constant 0 : i32
        %scan3A_219 = arith.constant 64 : i32
        %scan3A_220 = arith.addi %scan3A_218, %scan3A_219 : i32
        %scan3A_221 = arith.constant 1 : i32
        scf.for %scan3A_279 = %scan3A_218 to %scan3A_220 step %scan3A_221  : i32 {
          %mul3A_280 = arith.constant 1024 : i32
          %mul3A_281 = arith.muli %sub3A_197, %mul3A_280 : i32
          %mul3A_282 = arith.constant 16 : i32
          %mul3A_283 = arith.muli %scan3A_279, %mul3A_282 : i32
          %add3A_284 = arith.addi %mul3A_281, %mul3A_283 : i32
          %get3A = arith.index_cast %add3A_284 : i32 to index
          %get3A_285 = tpu.vector_load %arg4[%get3A] {strides = array<i32>} : memref<2048xi32, #tpu.memory_space<vmem>>, vector<16xi32>,
          %ge3A = vector.broadcast %mul3A_214 : i32 to vector<16xi32>
          %ge3A_286 = arith.cmpi sge, %get3A_285, %ge3A : vector<16xi32>
          %add3A_287 = arith.constant 40 : i32
          %add3A_288 = arith.addi %mul3A_214, %add3A_287 : i32
          %lt3A_289 = vector.broadcast %add3A_288 : i32 to vector<16xi32>
          %lt3A_290 = arith.cmpi slt, %get3A_285, %lt3A_289 : vector<16xi32>
          %and3A_291 = arith.andi %ge3A_286, %lt3A_290 : vector<16xi1>
          %sub3A_292 = vector.broadcast %mul3A_214 : i32 to vector<16xi32>
          %sub3A_293 = arith.subi %get3A_285, %sub3A_292 : vector<16xi32>
          %mul3A_294 = arith.constant 16 : i32
          %mul3A_295 = arith.muli %scan3A_279, %mul3A_294 : i32
          %add3A_296 = vector.broadcast %mul3A_295 : i32 to vector<16xi32>
          %add3A_297 = arith.addi %iota3A, %add3A_296 : vector<16xi32>
          tpu.vector_store_idx %arg5[%broadcast_in_dim3A_216, %sub3A_293, %add3A_297], %broadcast_in_dim3A_76 masked %and3A_291 : memref<2x40x1024xf32, #tpu.memory_space<vmem>>[vector<16xi32>, vector<16xi32>, vector<16xi32>], vector<16xf32>, vector<16xi1>
        }
        %scan3A_222 = arith.constant 64 : i32
        %jit3A_223 = arith.constant 25 : i32
        %div3A_224 = arith.divsi %add3A_158, %jit3A_223 : i32
        %sign3A_225 = arith.constant 0 : i32
        %sign3A_226 = arith.cmpi sgt, %add3A_158, %sign3A_225 : i32
        %sign3A_227 = arith.extui %sign3A_226 : i1 to i32
        %sign3A_228 = arith.constant 0 : i32
        %sign3A_229 = arith.cmpi slt, %add3A_158, %sign3A_228 : i32
        %sign3A_230 = arith.extui %sign3A_229 : i1 to i32
        %sign3A_231 = arith.subi %sign3A_227, %sign3A_230 : i32
        %sign3A_232 = arith.constant 0 : i32
        %sign3A_233 = arith.cmpi sgt, %jit3A_223, %sign3A_232 : i32
        %sign3A_234 = arith.extui %sign3A_233 : i1 to i32
        %sign3A_235 = arith.constant 0 : i32
        %sign3A_236 = arith.cmpi slt, %jit3A_223, %sign3A_235 : i32
        %sign3A_237 = arith.extui %sign3A_236 : i1 to i32
        %sign3A_238 = arith.subi %sign3A_234, %sign3A_237 : i32
        %ne3A_239 = arith.cmpi ne, %sign3A_231, %sign3A_238 : i32
        %rem3A_240 = arith.remsi %add3A_158, %jit3A_223 : i32
        %ne3A_241 = arith.constant 0 : i32
        %ne3A_242 = arith.cmpi ne, %rem3A_240, %ne3A_241 : i32
        %and3A_243 = arith.andi %ne3A_239, %ne3A_242 : i1
        %sub3A_244 = arith.constant 1 : i32
        %sub3A_245 = arith.subi %div3A_224, %sub3A_244 : i32
        %select_n3A_246 = arith.select %and3A_243, %sub3A_245, %div3A_224 : i32
        %jit3A_247 = arith.constant 25 : i32
        %eq3A_248 = arith.constant 0 : i32
        %eq3A_249 = arith.cmpi eq, %jit3A_247, %eq3A_248 : i32
        %jit3A_250 = arith.constant 1 : i32
        %select_n3A_251 = arith.select %eq3A_249, %jit3A_250, %jit3A_247 : i32
        %rem3A_252 = arith.remsi %add3A_158, %select_n3A_251 : i32
        %ne3A_253 = arith.constant 0 : i32
        %ne3A_254 = arith.cmpi ne, %rem3A_252, %ne3A_253 : i32
        %lt3A_255 = arith.constant 0 : i32
        %lt3A_256 = arith.cmpi slt, %rem3A_252, %lt3A_255 : i32
        %lt3A_257 = arith.constant 0 : i32
        %lt3A_258 = arith.cmpi slt, %select_n3A_251, %lt3A_257 : i32
        %ne3A_259 = arith.xori %lt3A_256, %lt3A_258 : i1
        %and3A_260 = arith.andi %ne3A_259, %ne3A_254 : i1
        %add3A_261 = arith.addi %rem3A_252, %select_n3A_251 : i32
        %select_n3A_262 = arith.select %and3A_260, %add3A_261, %rem3A_252 : i32
        %mul3A_263 = arith.constant 40 : i32
        %mul3A_264 = arith.muli %select_n3A_262, %mul3A_263 : i32
        %dma_start3A = arith.constant 0 : i32
        %dma_start3A_265 = arith.constant 0 : i32
        %dma_start3A_266 = arith.constant 0 : i32
        %dma_start3A_267 = tpu.memref_slice %arg5[%dma_start3A, %dma_start3A_265, %dma_start3A_266] : memref<2x40x1024xf32, #tpu.memory_space<vmem>> -> memref<1x40x1024xf32, #tpu.memory_space<vmem>>
        %dma_start3A_268 = tpu.memref_squeeze %dma_start3A_267 : memref<1x40x1024xf32, #tpu.memory_space<vmem>> -> memref<40x1024xf32, #tpu.memory_space<vmem>>
        %dma_start3A_269 = arith.constant 0 : i32
        %dma_start3A_270 = tpu.memref_slice %arg3[%select_n3A_246, %mul3A_264, %dma_start3A_269] : memref<26x1000x1024xf32, #tpu.memory_space<hbm>> -> memref<1x40x1024xf32, #tpu.memory_space<hbm>>
        %dma_start3A_271 = tpu.memref_squeeze %dma_start3A_270 : memref<1x40x1024xf32, #tpu.memory_space<hbm>> -> memref<40x1024xf32, #tpu.memory_space<hbm>>
        %dma_start3A_272 = arith.constant 0 : i32
        %dma_start3A_273 = tpu.memref_slice %arg3[%select_n3A_246, %mul3A_264, %dma_start3A_272] : memref<26x1000x1024xf32, #tpu.memory_space<hbm>> -> memref<1x40x1024xf32, #tpu.memory_space<hbm>>
        %dma_start3A_274 = tpu.memref_squeeze %dma_start3A_273 : memref<1x40x1024xf32, #tpu.memory_space<hbm>> -> memref<40x1024xf32, #tpu.memory_space<hbm>>
        %dma_start3A_275 = arith.constant 0 : i32
        %dma_start3A_276 = arith.constant 0 : i32
        %dma_start3A_277 = tpu.memref_slice %arg5[%dma_start3A, %dma_start3A_275, %dma_start3A_276] : memref<2x40x1024xf32, #tpu.memory_space<vmem>> -> memref<1x40x1024xf32, #tpu.memory_space<vmem>>
        %dma_start3A_278 = tpu.memref_squeeze %dma_start3A_277 : memref<1x40x1024xf32, #tpu.memory_space<vmem>> -> memref<40x1024xf32, #tpu.memory_space<vmem>>
        tpu.enqueue_dma source(%dma_start3A_278 : memref<40x1024xf32, #tpu.memory_space<vmem>>) target(%dma_start3A_274 : memref<40x1024xf32, #tpu.memory_space<hbm>>) target_semaphore(%arg6 : memref<!tpu.dma_semaphore, #tpu.memory_space<semaphore_mem>>)
      } else {
      }
      %mul3A_160 = arith.constant 2 : i32
      %mul3A_161 = arith.muli %while3A_153, %mul3A_160 : i32
      %add3A_162 = arith.addi %select_n3A, %mul3A_161 : i32
      %add3A_163 = arith.constant 1 : i32
      %add3A_164 = arith.addi %add3A_162, %add3A_163 : i32
      %lt3A_165 = arith.cmpi slt, %add3A_164, %select_n3A_46 : i32
      %convert_element_type3A_166 = arith.extui %lt3A_165 : i1 to i32
      %cond3A_167 = arith.constant 0 : i32
      %cond3A_168 = arith.cmpi ne, %convert_element_type3A_166, %cond3A_167 : i32
      scf.if %cond3A_168 {
        %gt3A = arith.constant 0 : i32
        %gt3A_169 = arith.cmpi sgt, %while3A_153, %gt3A : i32
        %convert_element_type3A_170 = arith.extui %gt3A_169 : i1 to i32
        %cond3A_171 = arith.constant 0 : i32
        %cond3A_172 = arith.cmpi ne, %convert_element_type3A_170, %cond3A_171 : i32
        scf.if %cond3A_172 {
          %dma_wait3A_279 = arith.constant 0 : i32
          %dma_wait3A_280 = arith.constant 1 : i32
          %dma_wait3A_281 = arith.constant 0 : i32
          %dma_wait3A_282 = arith.constant 0 : i32
          %dma_wait3A_283 = tpu.memref_slice %arg5[%dma_wait3A_280, %dma_wait3A_281, %dma_wait3A_282] : memref<2x40x1024xf32, #tpu.memory_space<vmem>> -> memref<1x40x1024xf32, #tpu.memory_space<vmem>>
          %dma_wait3A_284 = tpu.memref_squeeze %dma_wait3A_283 : memref<1x40x1024xf32, #tpu.memory_space<vmem>> -> memref<40x1024xf32, #tpu.memory_space<vmem>>
          %dma_wait3A_285 = arith.constant 0 : i32
          %dma_wait3A_286 = arith.constant 0 : i32
          %dma_wait3A_287 = tpu.memref_slice %arg3[%dma_wait3A_279, %dma_wait3A_285, %dma_wait3A_286] : memref<26x1000x1024xf32, #tpu.memory_space<hbm>> -> memref<1x40x1024xf32, #tpu.memory_space<hbm>>
          %dma_wait3A_288 = tpu.memref_squeeze %dma_wait3A_287 : memref<1x40x1024xf32, #tpu.memory_space<hbm>> -> memref<40x1024xf32, #tpu.memory_space<hbm>>
          %dma_wait3A_289 = arith.constant 0 : i32
          %dma_wait3A_290 = arith.constant 0 : i32
          %dma_wait3A_291 = tpu.memref_slice %arg5[%dma_wait3A_280, %dma_wait3A_289, %dma_wait3A_290] : memref<2x40x1024xf32, #tpu.memory_space<vmem>> -> memref<1x40x1024xf32, #tpu.memory_space<vmem>>
          %dma_wait3A_292 = tpu.memref_squeeze %dma_wait3A_291 : memref<1x40x1024xf32, #tpu.memory_space<vmem>> -> memref<40x1024xf32, #tpu.memory_space<vmem>>
          %dma_wait3A_293 = arith.constant 0 : i32
          %dma_wait3A_294 = arith.constant 0 : i32
          %dma_wait3A_295 = tpu.memref_slice %arg3[%dma_wait3A_279, %dma_wait3A_293, %dma_wait3A_294] : memref<26x1000x1024xf32, #tpu.memory_space<hbm>> -> memref<1x40x1024xf32, #tpu.memory_space<hbm>>
          %dma_wait3A_296 = tpu.memref_squeeze %dma_wait3A_295 : memref<1x40x1024xf32, #tpu.memory_space<hbm>> -> memref<40x1024xf32, #tpu.memory_space<hbm>>
          tpu.wait_dma2 semaphore(%arg7 : memref<!tpu.dma_semaphore, #tpu.memory_space<semaphore_mem>>) src(%dma_wait3A_296 : memref<40x1024xf32, #tpu.memory_space<hbm>>) dst(%dma_wait3A_292 : memref<40x1024xf32, #tpu.memory_space<vmem>>)
          %sub3A_297 = arith.constant 2 : i32
          %sub3A_298 = arith.subi %add3A_164, %sub3A_297 : i32
          %jit3A_299 = arith.constant 25 : i32
          %div3A_300 = arith.divsi %sub3A_298, %jit3A_299 : i32
          %sign3A_301 = arith.constant 0 : i32
          %sign3A_302 = arith.cmpi sgt, %sub3A_298, %sign3A_301 : i32
          %sign3A_303 = arith.extui %sign3A_302 : i1 to i32
          %sign3A_304 = arith.constant 0 : i32
          %sign3A_305 = arith.cmpi slt, %sub3A_298, %sign3A_304 : i32
          %sign3A_306 = arith.extui %sign3A_305 : i1 to i32
          %sign3A_307 = arith.subi %sign3A_303, %sign3A_306 : i32
          %sign3A_308 = arith.constant 0 : i32
          %sign3A_309 = arith.cmpi sgt, %jit3A_299, %sign3A_308 : i32
          %sign3A_310 = arith.extui %sign3A_309 : i1 to i32
          %sign3A_311 = arith.constant 0 : i32
          %sign3A_312 = arith.cmpi slt, %jit3A_299, %sign3A_311 : i32
          %sign3A_313 = arith.extui %sign3A_312 : i1 to i32
          %sign3A_314 = arith.subi %sign3A_310, %sign3A_313 : i32
          %ne3A_315 = arith.cmpi ne, %sign3A_307, %sign3A_314 : i32
          %rem3A_316 = arith.remsi %sub3A_298, %jit3A_299 : i32
          %ne3A_317 = arith.constant 0 : i32
          %ne3A_318 = arith.cmpi ne, %rem3A_316, %ne3A_317 : i32
          %and3A_319 = arith.andi %ne3A_315, %ne3A_318 : i1
          %sub3A_320 = arith.constant 1 : i32
          %sub3A_321 = arith.subi %div3A_300, %sub3A_320 : i32
          %select_n3A_322 = arith.select %and3A_319, %sub3A_321, %div3A_300 : i32
          %sub3A_323 = arith.subi %select_n3A_322, %min3A_71 : i32
          %jit3A_324 = arith.constant 25 : i32
          %eq3A_325 = arith.constant 0 : i32
          %eq3A_326 = arith.cmpi eq, %jit3A_324, %eq3A_325 : i32
          %jit3A_327 = arith.constant 1 : i32
          %select_n3A_328 = arith.select %eq3A_326, %jit3A_327, %jit3A_324 : i32
          %rem3A_329 = arith.remsi %sub3A_298, %select_n3A_328 : i32
          %ne3A_330 = arith.constant 0 : i32
          %ne3A_331 = arith.cmpi ne, %rem3A_329, %ne3A_330 : i32
          %lt3A_332 = arith.constant 0 : i32
          %lt3A_333 = arith.cmpi slt, %rem3A_329, %lt3A_332 : i32
          %lt3A_334 = arith.constant 0 : i32
          %lt3A_335 = arith.cmpi slt, %select_n3A_328, %lt3A_334 : i32
          %ne3A_336 = arith.xori %lt3A_333, %lt3A_335 : i1
          %and3A_337 = arith.andi %ne3A_336, %ne3A_331 : i1
          %add3A_338 = arith.addi %rem3A_329, %select_n3A_328 : i32
          %select_n3A_339 = arith.select %and3A_337, %add3A_338, %rem3A_329 : i32
          %mul3A_340 = arith.constant 40 : i32
          %mul3A_341 = arith.muli %select_n3A_339, %mul3A_340 : i32
          %broadcast_in_dim3A_342 = arith.constant 1 : i32
          %broadcast_in_dim3A_343 = vector.broadcast %broadcast_in_dim3A_342 : i32 to vector<16xi32>
          %scan3A_344 = arith.constant 0 : i32
          %scan3A_345 = arith.constant 0 : i32
          %scan3A_346 = arith.constant 64 : i32
          %scan3A_347 = arith.addi %scan3A_345, %scan3A_346 : i32
          %scan3A_348 = arith.constant 1 : i32
          scf.for %scan3A_350 = %scan3A_345 to %scan3A_347 step %scan3A_348  : i32 {
            %mul3A_351 = arith.constant 1024 : i32
            %mul3A_352 = arith.muli %sub3A_323, %mul3A_351 : i32
            %mul3A_353 = arith.constant 16 : i32
            %mul3A_354 = arith.muli %scan3A_350, %mul3A_353 : i32
            %add3A_355 = arith.addi %mul3A_352, %mul3A_354 : i32
            %get3A = arith.index_cast %add3A_355 : i32 to index
            %get3A_356 = tpu.vector_load %arg4[%get3A] {strides = array<i32>} : memref<2048xi32, #tpu.memory_space<vmem>>, vector<16xi32>,
            %ge3A = vector.broadcast %mul3A_341 : i32 to vector<16xi32>
            %ge3A_357 = arith.cmpi sge, %get3A_356, %ge3A : vector<16xi32>
            %add3A_358 = arith.constant 40 : i32
            %add3A_359 = arith.addi %mul3A_341, %add3A_358 : i32
            %lt3A_360 = vector.broadcast %add3A_359 : i32 to vector<16xi32>
            %lt3A_361 = arith.cmpi slt, %get3A_356, %lt3A_360 : vector<16xi32>
            %and3A_362 = arith.andi %ge3A_357, %lt3A_361 : vector<16xi1>
            %sub3A_363 = vector.broadcast %mul3A_341 : i32 to vector<16xi32>
            %sub3A_364 = arith.subi %get3A_356, %sub3A_363 : vector<16xi32>
            %mul3A_365 = arith.constant 16 : i32
            %mul3A_366 = arith.muli %scan3A_350, %mul3A_365 : i32
            %add3A_367 = vector.broadcast %mul3A_366 : i32 to vector<16xi32>
            %add3A_368 = arith.addi %iota3A, %add3A_367 : vector<16xi32>
            tpu.vector_store_idx %arg5[%broadcast_in_dim3A_343, %sub3A_364, %add3A_368], %broadcast_in_dim3A_74 masked %and3A_362 : memref<2x40x1024xf32, #tpu.memory_space<vmem>>[vector<16xi32>, vector<16xi32>, vector<16xi32>], vector<16xf32>, vector<16xi1>
          }
          %scan3A_349 = arith.constant 64 : i32
        } else {
        }
        %jit3A_173 = arith.constant 25 : i32
        %div3A_174 = arith.divsi %add3A_164, %jit3A_173 : i32
        %sign3A_175 = arith.constant 0 : i32
        %sign3A_176 = arith.cmpi sgt, %add3A_164, %sign3A_175 : i32
        %sign3A_177 = arith.extui %sign3A_176 : i1 to i32
        %sign3A_178 = arith.constant 0 : i32
        %sign3A_179 = arith.cmpi slt, %add3A_164, %sign3A_178 : i32
        %sign3A_180 = arith.extui %sign3A_179 : i1 to i32
        %sign3A_181 = arith.subi %sign3A_177, %sign3A_180 : i32
        %sign3A_182 = arith.constant 0 : i32
        %sign3A_183 = arith.cmpi sgt, %jit3A_173, %sign3A_182 : i32
        %sign3A_184 = arith.extui %sign3A_183 : i1 to i32
        %sign3A_185 = arith.constant 0 : i32
        %sign3A_186 = arith.cmpi slt, %jit3A_173, %sign3A_185 : i32
        %sign3A_187 = arith.extui %sign3A_186 : i1 to i32
        %sign3A_188 = arith.subi %sign3A_184, %sign3A_187 : i32
        %ne3A_189 = arith.cmpi ne, %sign3A_181, %sign3A_188 : i32
        %rem3A_190 = arith.remsi %add3A_164, %jit3A_173 : i32
        %ne3A_191 = arith.constant 0 : i32
        %ne3A_192 = arith.cmpi ne, %rem3A_190, %ne3A_191 : i32
        %and3A_193 = arith.andi %ne3A_189, %ne3A_192 : i1
        %sub3A_194 = arith.constant 1 : i32
        %sub3A_195 = arith.subi %div3A_174, %sub3A_194 : i32
        %select_n3A_196 = arith.select %and3A_193, %sub3A_195, %div3A_174 : i32
        %sub3A_197 = arith.subi %select_n3A_196, %min3A_71 : i32
        %jit3A_198 = arith.constant 25 : i32
        %eq3A = arith.constant 0 : i32
        %eq3A_199 = arith.cmpi eq, %jit3A_198, %eq3A : i32
        %jit3A_200 = arith.constant 1 : i32
        %select_n3A_201 = arith.select %eq3A_199, %jit3A_200, %jit3A_198 : i32
        %rem3A_202 = arith.remsi %add3A_164, %select_n3A_201 : i32
        %ne3A_203 = arith.constant 0 : i32
        %ne3A_204 = arith.cmpi ne, %rem3A_202, %ne3A_203 : i32
        %lt3A_205 = arith.constant 0 : i32
        %lt3A_206 = arith.cmpi slt, %rem3A_202, %lt3A_205 : i32
        %lt3A_207 = arith.constant 0 : i32
        %lt3A_208 = arith.cmpi slt, %select_n3A_201, %lt3A_207 : i32
        %ne3A_209 = arith.xori %lt3A_206, %lt3A_208 : i1
        %and3A_210 = arith.andi %ne3A_209, %ne3A_204 : i1
        %add3A_211 = arith.addi %rem3A_202, %select_n3A_201 : i32
        %select_n3A_212 = arith.select %and3A_210, %add3A_211, %rem3A_202 : i32
        %mul3A_213 = arith.constant 40 : i32
        %mul3A_214 = arith.muli %select_n3A_212, %mul3A_213 : i32
        %broadcast_in_dim3A_215 = arith.constant 1 : i32
        %broadcast_in_dim3A_216 = vector.broadcast %broadcast_in_dim3A_215 : i32 to vector<16xi32>
        %scan3A_217 = arith.constant 0 : i32
        %scan3A_218 = arith.constant 0 : i32
        %scan3A_219 = arith.constant 64 : i32
        %scan3A_220 = arith.addi %scan3A_218, %scan3A_219 : i32
        %scan3A_221 = arith.constant 1 : i32
        scf.for %scan3A_279 = %scan3A_218 to %scan3A_220 step %scan3A_221  : i32 {
          %mul3A_280 = arith.constant 1024 : i32
          %mul3A_281 = arith.muli %sub3A_197, %mul3A_280 : i32
          %mul3A_282 = arith.constant 16 : i32
          %mul3A_283 = arith.muli %scan3A_279, %mul3A_282 : i32
          %add3A_284 = arith.addi %mul3A_281, %mul3A_283 : i32
          %get3A = arith.index_cast %add3A_284 : i32 to index
          %get3A_285 = tpu.vector_load %arg4[%get3A] {strides = array<i32>} : memref<2048xi32, #tpu.memory_space<vmem>>, vector<16xi32>,
          %ge3A = vector.broadcast %mul3A_214 : i32 to vector<16xi32>
          %ge3A_286 = arith.cmpi sge, %get3A_285, %ge3A : vector<16xi32>
          %add3A_287 = arith.constant 40 : i32
          %add3A_288 = arith.addi %mul3A_214, %add3A_287 : i32
          %lt3A_289 = vector.broadcast %add3A_288 : i32 to vector<16xi32>
          %lt3A_290 = arith.cmpi slt, %get3A_285, %lt3A_289 : vector<16xi32>
          %and3A_291 = arith.andi %ge3A_286, %lt3A_290 : vector<16xi1>
          %sub3A_292 = vector.broadcast %mul3A_214 : i32 to vector<16xi32>
          %sub3A_293 = arith.subi %get3A_285, %sub3A_292 : vector<16xi32>
          %mul3A_294 = arith.constant 16 : i32
          %mul3A_295 = arith.muli %scan3A_279, %mul3A_294 : i32
          %add3A_296 = vector.broadcast %mul3A_295 : i32 to vector<16xi32>
          %add3A_297 = arith.addi %iota3A, %add3A_296 : vector<16xi32>
          tpu.vector_store_idx %arg5[%broadcast_in_dim3A_216, %sub3A_293, %add3A_297], %broadcast_in_dim3A_76 masked %and3A_291 : memref<2x40x1024xf32, #tpu.memory_space<vmem>>[vector<16xi32>, vector<16xi32>, vector<16xi32>], vector<16xf32>, vector<16xi1>
        }
        %scan3A_222 = arith.constant 64 : i32
        %jit3A_223 = arith.constant 25 : i32
        %div3A_224 = arith.divsi %add3A_164, %jit3A_223 : i32
        %sign3A_225 = arith.constant 0 : i32
        %sign3A_226 = arith.cmpi sgt, %add3A_164, %sign3A_225 : i32
        %sign3A_227 = arith.extui %sign3A_226 : i1 to i32
        %sign3A_228 = arith.constant 0 : i32
        %sign3A_229 = arith.cmpi slt, %add3A_164, %sign3A_228 : i32
        %sign3A_230 = arith.extui %sign3A_229 : i1 to i32
        %sign3A_231 = arith.subi %sign3A_227, %sign3A_230 : i32
        %sign3A_232 = arith.constant 0 : i32
        %sign3A_233 = arith.cmpi sgt, %jit3A_223, %sign3A_232 : i32
        %sign3A_234 = arith.extui %sign3A_233 : i1 to i32
        %sign3A_235 = arith.constant 0 : i32
        %sign3A_236 = arith.cmpi slt, %jit3A_223, %sign3A_235 : i32
        %sign3A_237 = arith.extui %sign3A_236 : i1 to i32
        %sign3A_238 = arith.subi %sign3A_234, %sign3A_237 : i32
        %ne3A_239 = arith.cmpi ne, %sign3A_231, %sign3A_238 : i32
        %rem3A_240 = arith.remsi %add3A_164, %jit3A_223 : i32
        %ne3A_241 = arith.constant 0 : i32
        %ne3A_242 = arith.cmpi ne, %rem3A_240, %ne3A_241 : i32
        %and3A_243 = arith.andi %ne3A_239, %ne3A_242 : i1
        %sub3A_244 = arith.constant 1 : i32
        %sub3A_245 = arith.subi %div3A_224, %sub3A_244 : i32
        %select_n3A_246 = arith.select %and3A_243, %sub3A_245, %div3A_224 : i32
        %jit3A_247 = arith.constant 25 : i32
        %eq3A_248 = arith.constant 0 : i32
        %eq3A_249 = arith.cmpi eq, %jit3A_247, %eq3A_248 : i32
        %jit3A_250 = arith.constant 1 : i32
        %select_n3A_251 = arith.select %eq3A_249, %jit3A_250, %jit3A_247 : i32
        %rem3A_252 = arith.remsi %add3A_164, %select_n3A_251 : i32
        %ne3A_253 = arith.constant 0 : i32
        %ne3A_254 = arith.cmpi ne, %rem3A_252, %ne3A_253 : i32
        %lt3A_255 = arith.constant 0 : i32
        %lt3A_256 = arith.cmpi slt, %rem3A_252, %lt3A_255 : i32
        %lt3A_257 = arith.constant 0 : i32
        %lt3A_258 = arith.cmpi slt, %select_n3A_251, %lt3A_257 : i32
        %ne3A_259 = arith.xori %lt3A_256, %lt3A_258 : i1
        %and3A_260 = arith.andi %ne3A_259, %ne3A_254 : i1
        %add3A_261 = arith.addi %rem3A_252, %select_n3A_251 : i32
        %select_n3A_262 = arith.select %and3A_260, %add3A_261, %rem3A_252 : i32
        %mul3A_263 = arith.constant 40 : i32
        %mul3A_264 = arith.muli %select_n3A_262, %mul3A_263 : i32
        %dma_start3A = arith.constant 1 : i32
        %dma_start3A_265 = arith.constant 0 : i32
        %dma_start3A_266 = arith.constant 0 : i32
        %dma_start3A_267 = tpu.memref_slice %arg5[%dma_start3A, %dma_start3A_265, %dma_start3A_266] : memref<2x40x1024xf32, #tpu.memory_space<vmem>> -> memref<1x40x1024xf32, #tpu.memory_space<vmem>>
        %dma_start3A_268 = tpu.memref_squeeze %dma_start3A_267 : memref<1x40x1024xf32, #tpu.memory_space<vmem>> -> memref<40x1024xf32, #tpu.memory_space<vmem>>
        %dma_start3A_269 = arith.constant 0 : i32
        %dma_start3A_270 = tpu.memref_slice %arg3[%select_n3A_246, %mul3A_264, %dma_start3A_269] : memref<26x1000x1024xf32, #tpu.memory_space<hbm>> -> memref<1x40x1024xf32, #tpu.memory_space<hbm>>
        %dma_start3A_271 = tpu.memref_squeeze %dma_start3A_270 : memref<1x40x1024xf32, #tpu.memory_space<hbm>> -> memref<40x1024xf32, #tpu.memory_space<hbm>>
        %dma_start3A_272 = arith.constant 0 : i32
        %dma_start3A_273 = tpu.memref_slice %arg3[%select_n3A_246, %mul3A_264, %dma_start3A_272] : memref<26x1000x1024xf32, #tpu.memory_space<hbm>> -> memref<1x40x1024xf32, #tpu.memory_space<hbm>>
        %dma_start3A_274 = tpu.memref_squeeze %dma_start3A_273 : memref<1x40x1024xf32, #tpu.memory_space<hbm>> -> memref<40x1024xf32, #tpu.memory_space<hbm>>
        %dma_start3A_275 = arith.constant 0 : i32
        %dma_start3A_276 = arith.constant 0 : i32
        %dma_start3A_277 = tpu.memref_slice %arg5[%dma_start3A, %dma_start3A_275, %dma_start3A_276] : memref<2x40x1024xf32, #tpu.memory_space<vmem>> -> memref<1x40x1024xf32, #tpu.memory_space<vmem>>
        %dma_start3A_278 = tpu.memref_squeeze %dma_start3A_277 : memref<1x40x1024xf32, #tpu.memory_space<vmem>> -> memref<40x1024xf32, #tpu.memory_space<vmem>>
        tpu.enqueue_dma source(%dma_start3A_278 : memref<40x1024xf32, #tpu.memory_space<vmem>>) target(%dma_start3A_274 : memref<40x1024xf32, #tpu.memory_space<hbm>>) target_semaphore(%arg7 : memref<!tpu.dma_semaphore, #tpu.memory_space<semaphore_mem>>)
      } else {
      }
    }
    %dma_wait3A = arith.constant 0 : i32
    %dma_wait3A_118 = arith.constant 0 : i32
    %dma_wait3A_119 = arith.constant 0 : i32
    %dma_wait3A_120 = arith.constant 0 : i32
    %dma_wait3A_121 = tpu.memref_slice %arg5[%dma_wait3A_118, %dma_wait3A_119, %dma_wait3A_120] : memref<2x40x1024xf32, #tpu.memory_space<vmem>> -> memref<1x40x1024xf32, #tpu.memory_space<vmem>>
    %dma_wait3A_122 = tpu.memref_squeeze %dma_wait3A_121 : memref<1x40x1024xf32, #tpu.memory_space<vmem>> -> memref<40x1024xf32, #tpu.memory_space<vmem>>
    %dma_wait3A_123 = arith.constant 0 : i32
    %dma_wait3A_124 = arith.constant 0 : i32
    %dma_wait3A_125 = tpu.memref_slice %arg3[%dma_wait3A, %dma_wait3A_123, %dma_wait3A_124] : memref<26x1000x1024xf32, #tpu.memory_space<hbm>> -> memref<1x40x1024xf32, #tpu.memory_space<hbm>>
    %dma_wait3A_126 = tpu.memref_squeeze %dma_wait3A_125 : memref<1x40x1024xf32, #tpu.memory_space<hbm>> -> memref<40x1024xf32, #tpu.memory_space<hbm>>
    %dma_wait3A_127 = arith.constant 0 : i32
    %dma_wait3A_128 = arith.constant 0 : i32
    %dma_wait3A_129 = tpu.memref_slice %arg5[%dma_wait3A_118, %dma_wait3A_127, %dma_wait3A_128] : memref<2x40x1024xf32, #tpu.memory_space<vmem>> -> memref<1x40x1024xf32, #tpu.memory_space<vmem>>
    %dma_wait3A_130 = tpu.memref_squeeze %dma_wait3A_129 : memref<1x40x1024xf32, #tpu.memory_space<vmem>> -> memref<40x1024xf32, #tpu.memory_space<vmem>>
    %dma_wait3A_131 = arith.constant 0 : i32
    %dma_wait3A_132 = arith.constant 0 : i32
    %dma_wait3A_133 = tpu.memref_slice %arg3[%dma_wait3A, %dma_wait3A_131, %dma_wait3A_132] : memref<26x1000x1024xf32, #tpu.memory_space<hbm>> -> memref<1x40x1024xf32, #tpu.memory_space<hbm>>
    %dma_wait3A_134 = tpu.memref_squeeze %dma_wait3A_133 : memref<1x40x1024xf32, #tpu.memory_space<hbm>> -> memref<40x1024xf32, #tpu.memory_space<hbm>>
    tpu.wait_dma2 semaphore(%arg6 : memref<!tpu.dma_semaphore, #tpu.memory_space<semaphore_mem>>) src(%dma_wait3A_134 : memref<40x1024xf32, #tpu.memory_space<hbm>>) dst(%dma_wait3A_130 : memref<40x1024xf32, #tpu.memory_space<vmem>>)
    %dma_wait3A_135 = arith.constant 0 : i32
    %dma_wait3A_136 = arith.constant 1 : i32
    %dma_wait3A_137 = arith.constant 0 : i32
    %dma_wait3A_138 = arith.constant 0 : i32
    %dma_wait3A_139 = tpu.memref_slice %arg5[%dma_wait3A_136, %dma_wait3A_137, %dma_wait3A_138] : memref<2x40x1024xf32, #tpu.memory_space<vmem>> -> memref<1x40x1024xf32, #tpu.memory_space<vmem>>
    %dma_wait3A_140 = tpu.memref_squeeze %dma_wait3A_139 : memref<1x40x1024xf32, #tpu.memory_space<vmem>> -> memref<40x1024xf32, #tpu.memory_space<vmem>>
    %dma_wait3A_141 = arith.constant 0 : i32
    %dma_wait3A_142 = arith.constant 0 : i32
    %dma_wait3A_143 = tpu.memref_slice %arg3[%dma_wait3A_135, %dma_wait3A_141, %dma_wait3A_142] : memref<26x1000x1024xf32, #tpu.memory_space<hbm>> -> memref<1x40x1024xf32, #tpu.memory_space<hbm>>
    %dma_wait3A_144 = tpu.memref_squeeze %dma_wait3A_143 : memref<1x40x1024xf32, #tpu.memory_space<hbm>> -> memref<40x1024xf32, #tpu.memory_space<hbm>>
    %dma_wait3A_145 = arith.constant 0 : i32
    %dma_wait3A_146 = arith.constant 0 : i32
    %dma_wait3A_147 = tpu.memref_slice %arg5[%dma_wait3A_136, %dma_wait3A_145, %dma_wait3A_146] : memref<2x40x1024xf32, #tpu.memory_space<vmem>> -> memref<1x40x1024xf32, #tpu.memory_space<vmem>>
    %dma_wait3A_148 = tpu.memref_squeeze %dma_wait3A_147 : memref<1x40x1024xf32, #tpu.memory_space<vmem>> -> memref<40x1024xf32, #tpu.memory_space<vmem>>
    %dma_wait3A_149 = arith.constant 0 : i32
    %dma_wait3A_150 = arith.constant 0 : i32
    %dma_wait3A_151 = tpu.memref_slice %arg3[%dma_wait3A_135, %dma_wait3A_149, %dma_wait3A_150] : memref<26x1000x1024xf32, #tpu.memory_space<hbm>> -> memref<1x40x1024xf32, #tpu.memory_space<hbm>>
    %dma_wait3A_152 = tpu.memref_squeeze %dma_wait3A_151 : memref<1x40x1024xf32, #tpu.memory_space<hbm>> -> memref<40x1024xf32, #tpu.memory_space<hbm>>
    tpu.wait_dma2 semaphore(%arg7 : memref<!tpu.dma_semaphore, #tpu.memory_space<semaphore_mem>>) src(%dma_wait3A_152 : memref<40x1024xf32, #tpu.memory_space<hbm>>) dst(%dma_wait3A_148 : memref<40x1024xf32, #tpu.memory_space<vmem>>)
    return
  }
}

</mosaic_0001>

<sc_bundles>
// kernel: kernel.3.cloned.1.call-start
scs
__scs_entry_jumppad:
0x0: {  	(pc) =	sbr.rel $0x88, $3  }
0x1: {  	(tag) =	ssettag $0x0;
	lr =	simm.s32 $0x1  }
0x2: {  	[smem:$0x3FA0] =	sst lr;
	_ =	strace $0xD0000000  }
0x3: {  	_ = 	snop  }
0x4: {  	_ = 	snop  }
0x5: {  	_ = 	snop  }
0x6: {  	_ = 	snop  }
0x7: {  	_ = 	snop  }
__scs_overlays_trampoline_lowered:
0x8: {  	[smem:$0x3FAF] =	sst s0  }
0x9: {  	[smem:$0x3FB0] =	sst s1  }
0xa: {  	[smem:$0x3FB1] =	sst s2  }
0xb: {  	[smem:$0x3FB2] =	sst s3  }
0xc: {  	[smem:$0x3FB3] =	sst s4  }
0xd: {  	[smem:$0x3FB4] =	sst s5  }
0xe: {  	[smem:$0x3FB5] =	sst s6  }
0xf: {  	[smem:$0x3FB6] =	sst s7  }
0x10: {  	[smem:$0x3FB7] =	sst s8  }
0x11: {  	[smem:$0x3FB8] =	sst s9;
	s0 =	simm.s32 @!p0 $0x0  }
0x12: {  	s1 =	sld [smem:$0x3F9E];
	s0 =	simm.s32 @p0 $0x1  }
0x13: {  	[smem:$0x3FB9] =	sst s0;
	s0 =	simm.s32 @!p1 $0x0  }
0x14: {  	s2 =	sld [smem:$0x3F9D];
	s0 =	simm.s32 @p1 $0x1  }
0x15: {  	[smem:$0x3FBA] =	sst s0;
	s0 =	simm.s32 @!p2 $0x0  }
0x16: {  	s3 =	sld [smem:$0x3FDB];
	s0 =	simm.s32 @p2 $0x1  }
0x17: {  	s4 =	simm.s32 $0x1BF5;
	[smem:$0x3FBC] =	sst s0  }
0x18: {  	s0 =	sld [smem:$0x3F9F];
	_ =	swait.ge [sflag:s4], $0x0  }
0x19: {  	s7 =	sld [smem:$0x3FA0]  }
0x1a: {  	s8 =	sadd.s32 $0xFFFFE003, lr  }
0x1b: {  	s9 =	sadd.s32 $0xFFFFFEF7, lr;
	s5 =	simm.s32 $0xFFFFFFFF;
	p2 =	slt.u32 s8, $0xFFFFF086  }
0x1c: {  	p1 =	slt.u32 s9, $0xF7A;
	s5 =	simm.s32 @!p2 $0x0  }
0x1d: {  	s5 =	simm.s32 @p1 $0x1;
	p0 =	seq.s32 s7, s2  }
0x1e: {  	s7 =	smul.u32 @!p0 $0xF7A, s2;
	p2 =	seq.s32 @!p0 s5, $0x0  }
0x1f: {  	s9 =	smul.u32 $0xF7A, s1;
	s8 =	simm.s32 @!p0 $0x1BF5;
	p2 =	por !p2, p0  }
0x20: {  	[sflag:s8] =	ssyncset.s32 @!p0 $0xFFFFF086;
	s6 =	sadd.s32 @!p0 s3, s7;
	s7 =	simm.s32 @!p0 $0x108  }
0x21: {  	s3 =	sadd.s32 s3, s9;
	s6 =	sadd.s32 @!p0 $0x88, s6;
	s7 =	simm.s32 @p2 $0x1082  }
0x22: {  	[simem:s7], [sflag:s8] =	dma.local @!p0 [hbm:s6], $0xF7A  }
0x23: {  	s9 =	sor.u32 $0xD0000000, s2;
	s6 =	simm.s32 $0x108;
	_ =	swait.ge @!p0 [sflag:s8], $0x0  }
0x24: {  	s3 =	sadd.s32 $0x88, s3;
	s6 =	simm.s32 @!p1 $0x1082;
	[sflag:s4] =	ssyncset.s32 $0xFFFFF086  }
0x25: {  	[simem:s6], [sflag:s4] =	dma.local [hbm:s3], $0xF7A  }
0x26: {  	[smem:$0x3FA0] =	sst s1;
	(tag) =	ssettag s2;
	_ =	strace s9  }
0x27: {  	s1 =	sld [smem:$0x3FB0]  }
0x28: {  	s2 =	sld [smem:$0x3FB1]  }
0x29: {  	s4 =	sld [smem:$0x3FB3]  }
0x2a: {  	p0 =	seq.s32 s5, $0x0;
	s5 =	sld [smem:$0x3FB4]  }
0x2b: {  	s6 =	sld [smem:$0x3FB5]  }
0x2c: {  	s7 =	sld [smem:$0x3FB6]  }
0x2d: {  	s3 =	simm.s32 $0x108;
	s8 =	sld [smem:$0x3FB7]  }
0x2e: {  	s3 =	simm.s32 @!p0 $0x1082;
	s9 =	sld [smem:$0x3FB8]  }
0x2f: {  	lr =	sadd.s32 s0, s3;
	s0 =	sld [smem:$0x3FAF]  }
0x30: {  	s3 =	sld [smem:$0x3FB2]  }
0x31: {  	[smem:$0x3FBB] =	sst s10  }
0x32: {  	s10 =	sld [smem:$0x3FB9];
	_ =	sdelay $0x3  }
0x33: {  	p0 =	seq.s32 s10, $0x1;
	s10 =	sld [smem:$0x3FBB];
	_ =	sdelay $0x3  }
0x34: {  	[smem:$0x3FBB] =	sst s10  }
0x35: {  	s10 =	sld [smem:$0x3FBA];
	_ =	sdelay $0x3  }
0x36: {  	p1 =	seq.s32 s10, $0x1;
	s10 =	sld [smem:$0x3FBB];
	_ =	sdelay $0x3  }
0x37: {  	[smem:$0x3FBB] =	sst s10  }
0x38: {  	s10 =	sld [smem:$0x3FBC]  }
0x39: {  	_ = 	snop;
	(pc) =	sbr.ind lr, $3  }
0x3a: {  	_ = 	snop  }
0x3b: {  	_ = 	snop  }
0x3c: {  	p2 =	seq.s32 s10, $0x1;
	s10 =	sld [smem:$0x3FBB]  }
0x3d: {  	_ =	shalt  }
0x3e: {  	_ =	shalt  }
0x3f: {  	_ =	shalt  }
0x40: {  	_ =	shalt  }
0x41: {  	_ =	shalt  }
0x42: {  	_ =	shalt  }
0x43: {  	_ =	shalt  }
0x44: {  	_ =	shalt  }
0x45: {  	_ =	shalt  }
0x46: {  	_ =	shalt  }
0x47: {  	_ =	shalt  }
0x48: {  	_ =	shalt  }
0x49: {  	_ =	shalt  }
0x4a: {  	_ =	shalt  }
0x4b: {  	_ =	shalt  }
0x4c: {  	_ =	shalt  }
0x4d: {  	_ =	shalt  }
0x4e: {  	_ =	shalt  }
0x4f: {  	_ =	shalt  }
0x50: {  	_ =	shalt  }
0x51: {  	_ =	shalt  }
0x52: {  	_ =	shalt  }
0x53: {  	_ =	shalt  }
0x54: {  	_ =	shalt  }
0x55: {  	_ =	shalt  }
0x56: {  	_ =	shalt  }
0x57: {  	_ =	shalt  }
0x58: {  	_ =	shalt  }
0x59: {  	_ =	shalt  }
0x5a: {  	_ =	shalt  }
0x5b: {  	_ =	shalt  }
0x5c: {  	_ =	shalt  }
0x5d: {  	_ =	shalt  }
0x5e: {  	_ =	shalt  }
0x5f: {  	_ =	shalt  }
0x60: {  	_ =	shalt  }
0x61: {  	_ =	shalt  }
0x62: {  	_ =	shalt  }
0x63: {  	_ =	shalt  }
0x64: {  	_ =	shalt  }
0x65: {  	_ =	shalt  }
0x66: {  	_ =	shalt  }
0x67: {  	_ =	shalt  }
0x68: {  	_ =	shalt  }
0x69: {  	_ =	shalt  }
0x6a: {  	_ =	shalt  }
0x6b: {  	_ =	shalt  }
0x6c: {  	_ =	shalt  }
0x6d: {  	_ =	shalt  }
0x6e: {  	_ =	shalt  }
0x6f: {  	_ =	shalt  }
0x70: {  	_ =	shalt  }
0x71: {  	_ =	shalt  }
0x72: {  	_ =	shalt  }
0x73: {  	_ =	shalt  }
0x74: {  	_ =	shalt  }
0x75: {  	_ =	shalt  }
0x76: {  	_ =	shalt  }
0x77: {  	_ =	shalt  }
0x78: {  	_ =	shalt  }
0x79: {  	_ =	shalt  }
0x7a: {  	_ =	shalt  }
0x7b: {  	_ =	shalt  }
0x7c: {  	_ =	shalt  }
0x7d: {  	_ =	shalt  }
0x7e: {  	_ =	shalt  }
0x7f: {  	_ =	shalt  }
0x80: {  	_ =	shalt  }
0x81: {  	_ =	shalt  }
0x82: {  	_ =	shalt  }
0x83: {  	_ =	shalt  }
0x84: {  	_ =	shalt  }
0x85: {  	_ =	shalt  }
0x86: {  	_ =	shalt  }
0x87: {  	_ =	shalt  }
.Lfunc_end0:
.L_simem_size_0:
called_computation_lowered:
.L_overlay_start_0:
0x88: {  	s2 =	sld [smem:$0x3FD9]  }
0x89: {  	s3 =	sld [smem:$0x3FFE];
	_ =	sdelay $0x1  }
0x8a: {  	s1 =	srdreg.scid  }
0x8b: {  	s0 =	sand.u32 $0x1, s1  }
0x8c: {  	s17 =	sshll.u32 s0, $0xA;
	s2 =	sadd.s32 s3, s2  }
0x8d: {  	s2 =	sadd.s32 s2, s17  }
0x8e: {  	[smem:$0x3FC7] =	sst s2  }
0x8f: {  	_ = 	snop  }
0x90: {  	s2 =	sld [smem:$0x3FD0];
	(tm) =	ssettm $0x1  }
0x91: {  	s18 =	sld [smem:$0x3FFB];
	_ =	sdelay $0x3  }
0x92: {  	_ =	strace s18  }
0x93: {  	s3 =	sld [smem:$0x3FFC];
	_ =	sdelay $0x3  }
0x94: {  	_ =	strace s3  }
0x95: {  	s3 =	sld [smem:$0x3FFD];
	_ =	sdelay $0x3  }
0x96: {  	_ =	strace s3  }
0x97: {  	_ =	strace $0x8FFFFFFF  }
0x98: {  	s19 =	sld [smem:$0x3FDB];
	_ =	sdelay $0x1  }
0x99: {  	s4 =	simm.s32 $_scs_section_size  }
0x9a: {  	s5 =	simm.s32 $_size__tile_overlayer_lowered;
	s6 =	simm.s32 $_tile_overlayer_lowered  }
0x9b: {  	s22 =	simm.s32 $0x1BFF;
	s21 =	sshll.u32 s6, $0x1;
	s3 =	sadd.s32 s4, s19  }
0x9c: {  	s7 =	simm.s32 $0x0;
	s20 =	sshll.u32 s5, $0x1;
	s5 =	sadd.s32 s21, s3  }
0x9d: {  	[timem:s7], [sflag:s22] =	dma.local [hbm:s5], s20  }
0x9e: {  	_ =	swait.ge [sflag:s22], s20  }
0x9f: {  	s4 =	ssub.s32 $0x0, s20;
	[sflag:s22] =	ssyncset.done $0x0  }
0xa0: {  	[sflag:s22] =	ssyncadd.s32 s4;
	_ =	sdelay $0x1  }
0xa1: {  	s23 =	simm.s32 $0x1B8B  }
0xa2: {  	_ =	swait.ge [sflag:s23], $0x1  }
0xa3: {  	[sflag:s23] =	ssyncset.done $0x0  }
0xa4: {  	s25 =	simm.s32 $0x1B8E;
	s24 =	sld [smem:$0x3FFE];
	[sflag:s23] =	ssyncadd.s32 $0xFFFFFFFF  }
0xa5: {  	s26 =	simm.s32 $execute0_lowered;
	[smem:$0x3FD2] =	sst s25  }
0xa6: {  	s5 =	sshll.u32 s26, $0x1;
	_ =	strace $0x80000046;
	[dreg:$0x1] =	wrdreg $0xFFFFFFFF  }
0xa7: {  	s28 =	simm.s32 $_size_execute0_lowered;
	s3 =	sadd.s32 s3, s5;
	[dreg:$0x0] =	wrdreg $0x0  }
0xa8: {  	s5 =	sshll.u32 s28, $0x1;
	[dreg:$0x2] =	wrdreg s3  }
0xa9: {  	[dreg:$0x3] =	wrdreg s5  }
0xaa: {  	[dreg:$0x4] =	wrdreg $0xC0  }
0xab: {  	_ =	task [dreg:s7], $0x5FFFF  }
0xac: {  	[dreg:$0x1] =	wrdreg $0xFFFFFFFF  }
0xad: {  	[dreg:$0x0] =	wrdreg $0x60  }
0xae: {  	[dreg:$0x2] =	wrdreg s24  }
0xaf: {  	[dreg:$0x3] =	wrdreg s2  }
0xb0: {  	[dreg:$0x4] =	wrdreg $0x9  }
0xb1: {  	_ =	task.clear_ibuf [dreg:s7], $0x5FFFF;
	_ =	strace $0x90000046  }
0xb2: {  	s29 =	simm.s32 $0x9;
	_ =	strace $0x80000048  }
0xb3: {  	_ =	swait.ge [sflag:s29], $0x1  }
0xb4: {  	[sflag:s29] =	ssyncadd.s32 $0xFFFFFFFF  }
0xb5: {  	_ =	strace $0x90000048  }
0xb6: {  	_ =	sfence  }
0xb7: {  	s30 =	sld [smem:$0x0];
	_ =	sdelay $0x2  }
0xb8: {  	s31 =	sshll.u32 s1, $0xD;
	s1 =	sshrl.u32 s1, $0x2  }
0xb9: {  	s3 =	sand.u32 $0x4000, s31;
	s1 =	sadd.s32 s1, s30  }
0xba: {  	s0 =	sor.u32 s3, s0;
	s1 =	sshll.u32 s1, $0x11  }
0xbb: {  	s0 =	sor.u32 s1, s0  }
0xbc: {  	s0 =	sadd.s32 $0x8F2B, s0  }
0xbd: {  	[sflag:s0] =	ssyncadd.remote.s32 $0x1  }
0xbe: {  	_ =	sfence.sel $0xFFFF  }
0xbf: {  	[dreg:$0x0] =	wrdreg $0xFFFFFFFF;
	(pc) =	sbr.abs _section_cstart, $3  }
0xc0: {  	[dreg:$0x1] =	wrdreg $0xFFFFFFFF  }
0xc1: {  	_ =	task.clear_ibuf [dreg:s7], $0x2FFFF;
	_ =	strace $0x9FFFFFFF  }
0xc2: {  	(tm) =	ssettm $0x7FFFFFFF  }
0xc3: {  	_ =	shalt  }
tec
execute0_lowered:
.L_overlay_start_1:
0x0: {  	(tag) =	ssettag $0x1  }
0x1: {  	s0 =	srdreg.scid  }
0x2: {  	s8 =	rddreg [dreg:$0x0];
	s7 =	sand.u32 $0x1, s0  }
0x3: {  	s2 =	rddreg [dreg:$0x1];
	s0 =	stileid.u32;
	s1 =	sshll.u32 s7, $0x4  }
0x4: {  	s3 =	simm.s32 $0x0;
	s14 =	simm.s32 $0x2;
	s1 =	sor.u32 s0, s1  }
0x5: {  	s15 =	simm.s32 $0x0;
	s7 =	ssub.s32 $0x2, s7;
	s5 =	smul.u32 $0x28A, s1  }
0x6: {  	[smem:$0x7FF] =	sst s3;
	s11 =	sshrl.u32 s7, $0x1;
	s4 =	smul.u32 $0x34004E, s1  }
0x7: {  	s1 =	rddreg [dreg:$0x2];
	_ =	strace $0x80000047;
	s6 =	sadd.s32 $0x28A, s5  }
0x8: {  	s4 =	sshrl.u32 s4, $0x16;
	s5 =	sshrl.u32 s5, $0x5;
	s6 =	sshrl.u32 s6, $0x5  }
0x9: {  	s30 =	ssub.s32 s7, s11;
	s4 =	smin.u32 s4, $0x18;
	s10 =	ssub.s32 s6, s5  }
0xa: {  	s11 =	simm.s32 $0x1;
	s9 =	sshll.u32 s4, $0x7;
	s29 =	sadd.s32 $0x1, s10  }
0xb: {  	s8 =	sadd.s32 s9, s8;
	s12 =	sand.u32 $0x8000, s29;
	s13 =	sand.u32 $0x1, s29  }
0xc: {  	p0 =	slt.s32 s10, $0x0;
	s12 =	sshrl.u32 s12, $0xF;
	p1 =	seq.s32 s13, $0x1  }
.Ltmp0:
0xd: {  	s31 =	sadd.s32 s12, s29;
	p0 =	por !p0, !p1;
	(pc) =	sbr.rel .LBB2_1-.Ltmp0, $4  }
0xe: {  	s10 =	smax.u32 s30, $0x1;
	s9 =	sshll.u32 s31, $0x10;
	p0 =	por !p0, !p0  }
0xf: {  	s7 =	sadd.s32 $0x400, s8;
	s9 =	sshra.s32 s9, $0x11;
	s11 =	simm.s32 @!p0 $0x0  }
0x10: {  	s8 =	simm.s32 $0x1;
	s13 =	simm.s32 $0xA800;
	s9 =	ssub.s32 s9, s11  }
0x11: {  	v0 =	vimm.f32 $0.0e+00;
	v1 =	vlaneseq.u32;
	v2 =	vimm.f32 $1.000000000e+00;
	s12 =	simm.s32 $0x800;
	s11 =	simm.s32 $0x3;
	p0 =	slt.s32 s9, $0x1  }
.LBB2_23:
0x12: {  	s15 =	sadd.s32 $0x1, s15  }
0x13: {  	_ =	swait.ge [sflag:s8], $0xA000;
	p1 =	sne.s32 s15, s10  }
.Ltmp1:
0x14: {  	[sflag:s8] =	ssyncset.done $0x0;
	(pc) =	sbr.rel @!p1 .LBB2_24-.Ltmp1, $4  }
0x15: {  	[sflag:s8] =	ssyncadd.s32 $0xFFFF6000  }
0x16: {  	_ =	swait.ge [sflag:s14], $0xA000  }
0x17: {  	[sflag:s14] =	ssyncset.done $0x0  }
0x18: {  	[sflag:s14] =	ssyncadd.s32 $0xFFFF6000  }
.LBB2_1:
0x19: {  	[tilespmem:s3], [sflag:$0x3] =	stream.linear.gather [hbm4b:s7+s3], $0x800, $0x38;
	[tilespmem:$0x14800] =	vst v63  }
0x1a: {  	_ =	swait.ge [sflag:s11], $0x800  }
0x1b: {  	[sflag:s11] =	ssyncset.done $0x0  }
0x1c: {  	s16 =	simm.s32 $0x0;
	[sflag:s11] =	ssyncadd.s32 $0xFFFFF800  }
.LBB2_2:
0x1d: {  	s17 =	smulhi.u32 $0xCCCCCCCD, s16;
	_ =	sdelay $0x1  }
0x1e: {  	s17 =	sshrl.u32 s17, $0x5  }
0x1f: {  	s18 =	smul.u32 $0x28, s17;
	_ =	sdelay $0x1  }
0x20: {  	s17 =	smul.u32 $0x28000, s17;
	s18 =	ssub.s32 s16, s18  }
0x21: {  	s19 =	sshll.u32 s18, $0xA  }
0x22: {  	s17 =	sshra.s32 s17, $0x2;
	s18 =	sshll.u32 s18, $0x7;
	s19 =	sand.u32 $0xE000, s19  }
0x23: {  	s18 =	sand.u32 $0x380, s18;
	s17 =	sadd.s32 s19, s17  }
0x24: {  	s18 =	sor.u32 s18, s17;
	s17 =	simm.s32 $0x0  }
0x25: {  	s18 =	sor.u32 $0x800, s18;
	s31 =	sand.u32 $0x1C00, s17  }
0x26: {  	s20 =	sand.u32 $0x70, s17;
	s21 =	sadd.s32 s31, s18  }
0x27: {  	s19 =	simm.s32 $0x10;
	s20 =	sadd.s32 s20, s21  }
.LBB2_3:
0x28: {  	p1 =	sne.s32 s19, $0x3F0  }
0x29: {  	[tilespmem:s20+$0x0] =	vst v0;
	s17 =	sadd.s32 $0x80, s17;
	s20 =	smov.u32 s19;
	s19 =	sadd.s32 $0x10, s19  }
.Ltmp2:
0x2a: {  	(pc) =	sbr.rel @p1 .LBB2_3-.Ltmp2, $4  }
0x2b: {  	_ = 	snop  }
0x2c: {  	s21 =	sand.u32 $0x1C00, s17  }
0x2d: {  	s20 =	sand.u32 $0x70, s20;
	s21 =	sadd.s32 s21, s18  }
0x2e: {  	s20 =	sadd.s32 s20, s21  }
0x2f: {  	s16 =	sadd.s32 $0x1, s16  }
0x30: {  	p1 =	sne.s32 s16, $0x50  }
.Ltmp3:
0x31: {  	_ = 	snop;
	(pc) =	sbr.rel @p1 .LBB2_2-.Ltmp3, $2  }
0x32: {  	_ =	sdelay $0x2  }
0x33: {  	[tilespmem:s20+$0x0] =	vst v0  }
.Ltmp4:
0x34: {  	(pc) =	sbr.rel @!p0 .LBB2_6-.Ltmp4, $4  }
.Ltmp5:
0x35: {  	(pc) =	sbr.rel @p0 .LBB2_23-.Ltmp5, $4  }
0x36: {  	_ = 	snop  }
0x37: {  	_ = 	snop  }
0x38: {  	s16 =	simm.s32 $0x0  }
0x39: {  	_ = 	snop  }
.LBB2_22:
0x3a: {  	s16 =	sadd.s32 $0x1, s16  }
0x3b: {  	p1 =	slt.s32 s16, s9  }
.Ltmp6:
0x3c: {  	_ = 	snop;
	(pc) =	sbr.rel @!p1 .LBB2_23-.Ltmp6, $1  }
0x3d: {  	_ =	sdelay $0x3  }
.LBB2_6:
0x3e: {  	s17 =	sshll.u32 s16, $0x1  }
0x3f: {  	s17 =	sadd.s32 s5, s17  }
0x40: {  	p2 =	sge.u32 s17, s6  }
.Ltmp7:
0x41: {  	_ = 	snop;
	(pc) =	sbr.rel @p2 .LBB2_14-.Ltmp7, $2  }
0x42: {  	_ =	sdelay $0x2  }
0x43: {  	p1 =	seq.s32 s16, $0x0  }
.Ltmp8:
0x44: {  	(pc) =	sbr.rel @p1 .LBB2_11-.Ltmp8, $1  }
0x45: {  	_ =	sdelay $0x3  }
0x46: {  	s18 =	sadd.s32 $0xFFFFFFFE, s17  }
0x47: {  	s19 =	smulhi.u32 $0x51EB851F, s18;
	s20 =	sshra.s32 s18, $0x1F  }
0x48: {  	s20 =	smul.u32 $0x51EB851F, s20;
	_ =	sdelay $0x1  }
0x49: {  	s19 =	sadd.s32 s20, s19  }
0x4a: {  	s20 =	sshrl.u32 s19, $0x1F;
	s19 =	sshra.s32 s19, $0x3  }
0x4b: {  	s19 =	sadd.s32 s20, s19  }
0x4c: {  	s20 =	smul.u32 $0xFFFFFFE7, s19;
	_ =	sdelay $0x1  }
0x4d: {  	s20 =	sadd.s32 s18, s20  }
0x4e: {  	p2 =	slt.s32 s17, $0x3;
	p3 =	sne.s32 s20, $0x0  }
0x4f: {  	p2 =	por !p2, !p3  }
0x50: {  	s18 =	simm.s32 $0x1;
	p2 =	por !p2, !p2  }
0x51: {  	s19 =	ssub.s32 s19, s4;
	s18 =	simm.s32 @!p2 $0x0  }
0x52: {  	s18 =	ssub.s32 s19, s18  }
0x53: {  	_ =	swait.ge [sflag:s8], $0xA000;
	s31 =	simm.s32 $0x0;
	s18 =	sshll.u32 s18, $0xC  }
0x54: {  	[sflag:s8] =	ssyncset.done $0x0;
	s21 =	sand.u32 $0x380, s31;
	s18 =	sshra.s32 s18, $0x2  }
0x55: {  	s22 =	sand.u32 $0x70, s31;
	[sflag:s8] =	ssyncadd.s32 $0xFFFF6000;
	s21 =	sadd.s32 s21, s18  }
0x56: {  	p2 =	slt.s32 s20, $0x0;
	s21 =	sadd.s32 s22, s21;
	s22 =	sadd.s32 $0x19, s20  }
0x57: {  	s20 =	smov.u32 @p2 s22;
	v5 =	vld [tilespmem:s21+$0x0]  }
0x58: {  	v4 =	vmov s31;
	s20 =	smul.u32 $0x28, s20  }
0x59: {  	v6 =	vor.u32 s31, v1;
	v7 =	vshll.u32 v4, $0x3  }
0x5a: {  	v6 =	vand.u32 $0x7F, v6;
	v7 =	vand.u32 $0x1C00, v7;
	v3 =	vmov s20;
	s20 =	sadd.s32 $0x28, s20  }
0x5b: {  	v6 =	vor.u32 v7, v6;
	v4 =	vmov s20  }
0x5c: {  	v7 =	vsub.s32 v5, v3;
	v8 =	vshll.u32 v5, $0x7;
	vm0 =	vge.s32 v5, v3  }
0x5d: {  	vm1 =	vlt.s32 v5, v4;
	v7 =	vshll.u32 v7, $0xA;
	v8 =	vand.u32 $0x380, v8  }
0x5e: {  	vm0 =	vmand vm0, vm1;
	v5 =	vand.u32 $0xFFFFE000, v7;
	v6 =	vor.u32 v8, v6  }
0x5f: {  	v5 =	vor.u32 v5, v6;
	_ =	sdelay $0x1  }
0x60: {  	s19 =	simm.s32 $0x10  }
0x61: {  	s21 =	sand.u32 $0x380, s19;
	s20 =	simm.s32 $0x20  }
.LBB2_9:
0x62: {  	p2 =	sne.s32 s20, $0x3F0;
	s22 =	sand.u32 $0x70, s19;
	s21 =	sadd.s32 s21, s18  }
0x63: {  	s21 =	sadd.s32 s22, s21;
	[tilespmem:v5+s12+$0x0] =	vst.idx.msk vm0, v0  }
0x64: {  	v5 =	vld [tilespmem:s21+$0x0]  }
0x65: {  	v6 =	vmov s19  }
0x66: {  	v7 =	vor.u32 s19, v1;
	s19 =	smov.u32 s20;
	v6 =	vshll.u32 v6, $0x3  }
0x67: {  	v7 =	vand.u32 $0x7F, v7;
	v6 =	vand.u32 $0x1C00, v6  }
0x68: {  	v6 =	vor.u32 v6, v7  }
0x69: {  	vm0 =	vge.s32 v5, v3;
	v7 =	vsub.s32 v5, v3;
	v8 =	vshll.u32 v5, $0x7  }
0x6a: {  	vm1 =	vlt.s32 v5, v4;
	v5 =	vshll.u32 v7, $0xA;
	v7 =	vand.u32 $0x380, v8  }
.Ltmp9:
0x6b: {  	vm0 =	vmand vm0, vm1;
	v5 =	vand.u32 $0xFFFFE000, v5;
	v6 =	vor.u32 v7, v6;
	(pc) =	sbr.rel @p2 .LBB2_9-.Ltmp9, $2  }
0x6c: {  	v5 =	vor.u32 v5, v6;
	_ =	sdelay $0x2  }
0x6d: {  	s20 =	sadd.s32 $0x10, s20;
	s21 =	sand.u32 $0x380, s19  }
0x6e: {  	_ =	sdelay $0x3  }
0x6f: {  	s20 =	sand.u32 $0x70, s19;
	s18 =	sadd.s32 s21, s18  }
0x70: {  	[tilespmem:v5+s12+$0x0] =	vst.idx.msk vm0, v0;
	s18 =	sadd.s32 s20, s18  }
0x71: {  	v5 =	vld [tilespmem:s18+$0x0]  }
0x72: {  	v6 =	vmov s19  }
0x73: {  	v7 =	vor.u32 s19, v1;
	v6 =	vshll.u32 v6, $0x3  }
0x74: {  	v7 =	vand.u32 $0x7F, v7;
	v6 =	vand.u32 $0x1C00, v6  }
0x75: {  	v6 =	vor.u32 v6, v7  }
0x76: {  	vm15 =	vge.s32 v5, v3;
	v3 =	vsub.s32 v5, v3;
	v62 =	vshll.u32 v5, $0x7  }
0x77: {  	vm1 =	vlt.s32 v5, v4;
	v3 =	vshll.u32 v3, $0xA;
	v63 =	vand.u32 $0x380, v62  }
0x78: {  	vm0 =	vmand vm15, vm1;
	v3 =	vand.u32 $0xFFFFE000, v3;
	v4 =	vor.u32 v63, v6  }
0x79: {  	v3 =	vor.u32 v3, v4;
	_ =	sdelay $0x4  }
0x7a: {  	[tilespmem:v3+s12+$0x0] =	vst.idx.msk vm0, v0  }
.LBB2_11:
0x7b: {  	s18 =	smulhi.u32 $0x51EB851F, s17;
	_ =	sdelay $0x1  }
0x7c: {  	s19 =	sshrl.u32 s18, $0x3  }
0x7d: {  	s18 =	ssub.s32 s19, s4  }
0x7e: {  	s20 =	simm.s32 $0x0;
	s18 =	sshll.u32 s18, $0xC  }
0x7f: {  	s21 =	sand.u32 $0x380, s20;
	s18 =	sshra.s32 s18, $0x2  }
0x80: {  	s22 =	sand.u32 $0x70, s20;
	s19 =	smul.u32 $0x19, s19;
	s21 =	sadd.s32 s21, s18  }
0x81: {  	s21 =	sadd.s32 s22, s21  }
0x82: {  	s19 =	ssub.s32 s17, s19;
	v5 =	vld [tilespmem:s21+$0x0]  }
0x83: {  	v4 =	vmov s20;
	s19 =	smul.u32 $0x28, s19  }
0x84: {  	v6 =	vor.u32 s20, v1;
	v7 =	vshll.u32 v4, $0x3  }
0x85: {  	v6 =	vand.u32 $0x7F, v6;
	v7 =	vand.u32 $0x1C00, v7;
	v3 =	vmov s19;
	s19 =	sadd.s32 $0x28, s19  }
0x86: {  	v6 =	vor.u32 v7, v6;
	v4 =	vmov s19  }
0x87: {  	v7 =	vsub.s32 v5, v3;
	v8 =	vshll.u32 v5, $0x7;
	vm0 =	vge.s32 v5, v3  }
0x88: {  	vm1 =	vlt.s32 v5, v4;
	v7 =	vshll.u32 v7, $0xA;
	v8 =	vand.u32 $0x380, v8  }
0x89: {  	vm0 =	vmand vm0, vm1;
	v5 =	vand.u32 $0xFFFFE000, v7;
	v6 =	vor.u32 v8, v6  }
0x8a: {  	v5 =	vor.u32 v5, v6;
	_ =	sdelay $0x1  }
0x8b: {  	s19 =	simm.s32 $0x10  }
0x8c: {  	s20 =	simm.s32 $0x20;
	s21 =	sand.u32 $0x380, s19  }
.LBB2_12:
0x8d: {  	p2 =	sne.s32 s20, $0x3F0;
	s22 =	sand.u32 $0x70, s19;
	s21 =	sadd.s32 s21, s18  }
0x8e: {  	s21 =	sadd.s32 s22, s21;
	[tilespmem:v5+s12+$0x0] =	vst.idx.msk vm0, v2  }
0x8f: {  	v5 =	vld [tilespmem:s21+$0x0]  }
0x90: {  	v6 =	vmov s19  }
0x91: {  	v7 =	vor.u32 s19, v1;
	s19 =	smov.u32 s20;
	v6 =	vshll.u32 v6, $0x3  }
0x92: {  	v7 =	vand.u32 $0x7F, v7;
	v6 =	vand.u32 $0x1C00, v6  }
0x93: {  	v6 =	vor.u32 v6, v7  }
0x94: {  	vm0 =	vge.s32 v5, v3;
	v7 =	vsub.s32 v5, v3;
	v8 =	vshll.u32 v5, $0x7  }
0x95: {  	vm1 =	vlt.s32 v5, v4;
	v5 =	vshll.u32 v7, $0xA;
	v7 =	vand.u32 $0x380, v8  }
.Ltmp10:
0x96: {  	vm0 =	vmand vm0, vm1;
	v5 =	vand.u32 $0xFFFFE000, v5;
	v6 =	vor.u32 v7, v6;
	(pc) =	sbr.rel @p2 .LBB2_12-.Ltmp10, $2  }
0x97: {  	v5 =	vor.u32 v5, v6;
	_ =	sdelay $0x2  }
0x98: {  	s20 =	sadd.s32 $0x10, s20;
	s21 =	sand.u32 $0x380, s19  }
0x99: {  	_ =	sdelay $0x3  }
0x9a: {  	s20 =	sand.u32 $0x70, s19;
	s18 =	sadd.s32 s21, s18  }
0x9b: {  	[tilespmem:v5+s12+$0x0] =	vst.idx.msk vm0, v2;
	s18 =	sadd.s32 s20, s18  }
0x9c: {  	v5 =	vld [tilespmem:s18+$0x0]  }
0x9d: {  	v6 =	vmov s19  }
0x9e: {  	v7 =	vor.u32 s19, v1;
	v6 =	vshll.u32 v6, $0x3  }
0x9f: {  	v7 =	vand.u32 $0x7F, v7;
	v6 =	vand.u32 $0x1C00, v6  }
0xa0: {  	v6 =	vor.u32 v6, v7  }
0xa1: {  	vm15 =	vge.s32 v5, v3;
	v3 =	vsub.s32 v5, v3;
	v62 =	vshll.u32 v5, $0x7  }
0xa2: {  	vm1 =	vlt.s32 v5, v4;
	v3 =	vshll.u32 v3, $0xA;
	v63 =	vand.u32 $0x380, v62  }
0xa3: {  	vm0 =	vmand vm15, vm1;
	v3 =	vand.u32 $0xFFFFE000, v3;
	v4 =	vor.u32 v63, v6  }
0xa4: {  	v3 =	vor.u32 v3, v4;
	_ =	sdelay $0x1  }
0xa5: {  	s31 =	smul.u32 $0xA000, s17;
	_ =	sdelay $0x1  }
0xa6: {  	s18 =	sshrl.u32 s31, $0x3  }
0xa7: {  	s18 =	sadd.s32 s2, s18;
	[tilespmem:v3+s12+$0x0] =	vst.idx.msk vm0, v2  }
0xa8: {  	[hbm4b:s18+s3] =	stream.linear.scatter [tilespmem:s12], [sflag:$0x1], $0xA000, $0x38;
	[tilespmem:$0x14800] =	vst v63  }
.LBB2_14:
0xa9: {  	s18 =	sadd.s32 $0x1, s17  }
0xaa: {  	p2 =	sge.u32 s18, s6  }
.Ltmp11:
0xab: {  	_ = 	snop;
	(pc) =	sbr.rel @p2 .LBB2_22-.Ltmp11, $1  }
0xac: {  	_ =	sdelay $0x3  }
.Ltmp12:
0xad: {  	(pc) =	sbr.rel @p1 .LBB2_19-.Ltmp12, $1  }
0xae: {  	_ =	sdelay $0x3  }
0xaf: {  	s19 =	sadd.s32 $0xFFFFFFFF, s17  }
0xb0: {  	s20 =	smulhi.u32 $0x51EB851F, s19;
	s21 =	sshra.s32 s19, $0x1F  }
0xb1: {  	s21 =	smul.u32 $0x51EB851F, s21;
	_ =	sdelay $0x1  }
0xb2: {  	s20 =	sadd.s32 s21, s20  }
0xb3: {  	s21 =	sshrl.u32 s20, $0x1F;
	s20 =	sshra.s32 s20, $0x3  }
0xb4: {  	s20 =	sadd.s32 s21, s20  }
0xb5: {  	s21 =	smul.u32 $0xFFFFFFE7, s20;
	_ =	sdelay $0x1  }
0xb6: {  	s19 =	sadd.s32 s19, s21  }
0xb7: {  	p1 =	slt.s32 s17, $0x2;
	p2 =	sne.s32 s19, $0x0  }
0xb8: {  	p1 =	por !p1, !p2  }
0xb9: {  	s17 =	simm.s32 $0x1;
	p1 =	por !p1, !p1  }
0xba: {  	s20 =	ssub.s32 s20, s4;
	s17 =	simm.s32 @!p1 $0x0  }
0xbb: {  	s17 =	ssub.s32 s20, s17  }
0xbc: {  	s30 =	simm.s32 $0x0;
	s17 =	sshll.u32 s17, $0xC  }
0xbd: {  	_ =	swait.ge [sflag:s14], $0xA000;
	s31 =	sand.u32 $0x380, s30;
	s17 =	sshra.s32 s17, $0x2  }
0xbe: {  	[sflag:s14] =	ssyncset.done $0x0;
	s22 =	sand.u32 $0x70, s30;
	s21 =	sadd.s32 s31, s17  }
0xbf: {  	[sflag:s14] =	ssyncadd.s32 $0xFFFF6000;
	s21 =	sadd.s32 s22, s21  }
0xc0: {  	p1 =	slt.s32 s19, $0x0;
	s22 =	sadd.s32 $0x19, s19;
	v5 =	vld [tilespmem:s21+$0x0]  }
0xc1: {  	s19 =	smov.u32 @p1 s22  }
0xc2: {  	s19 =	smul.u32 $0x28, s19;
	_ =	sdelay $0x1  }
0xc3: {  	v3 =	vmov s19  }
0xc4: {  	v6 =	vmov s30;
	v8 =	vor.u32 s30, v1;
	v4 =	vsub.s32 v5, v3  }
0xc5: {  	v6 =	vshll.u32 v6, $0x3;
	v8 =	vand.u32 $0x7F, v8;
	v4 =	vshll.u32 v4, $0xA  }
0xc6: {  	v6 =	vand.u32 $0x1C00, v6;
	s19 =	sadd.s32 $0x28, s19;
	v7 =	vshll.u32 v5, $0x7;
	v4 =	vand.u32 $0xFFFFE000, v4  }
0xc7: {  	v7 =	vand.u32 $0x380, v7;
	v6 =	vor.u32 v6, v4;
	v4 =	vmov s19  }
0xc8: {  	vm0 =	vge.s32 v5, v3;
	v6 =	vor.u32 v7, v6;
	vm1 =	vlt.s32 v5, v4  }
0xc9: {  	v5 =	vor.u32 v8, v6;
	vm0 =	vmand vm0, vm1  }
0xca: {  	v5 =	vadd.s32 $0xA000, v5;
	_ =	sdelay $0x1  }
0xcb: {  	s19 =	simm.s32 $0x10  }
0xcc: {  	s20 =	simm.s32 $0x20;
	s21 =	sand.u32 $0x380, s19  }
.LBB2_17:
0xcd: {  	p1 =	sne.s32 s20, $0x3F0;
	s22 =	sand.u32 $0x70, s19;
	s21 =	sadd.s32 s21, s17  }
0xce: {  	s21 =	sadd.s32 s22, s21;
	[tilespmem:v5+s12+$0x0] =	vst.idx.msk vm0, v0  }
0xcf: {  	v5 =	vld [tilespmem:s21+$0x0];
	_ =	sdelay $0x4  }
0xd0: {  	v7 =	vmov s19;
	v6 =	vsub.s32 v5, v3  }
0xd1: {  	v8 =	vor.u32 s19, v1;
	s19 =	smov.u32 s20;
	v7 =	vshll.u32 v7, $0x3;
	v6 =	vshll.u32 v6, $0xA  }
0xd2: {  	v7 =	vand.u32 $0x1C00, v7;
	v9 =	vshll.u32 v5, $0x7;
	v6 =	vand.u32 $0xFFFFE000, v6  }
0xd3: {  	v8 =	vand.u32 $0x7F, v8;
	v6 =	vor.u32 v7, v6;
	v7 =	vand.u32 $0x380, v9  }
0xd4: {  	vm0 =	vge.s32 v5, v3;
	vm1 =	vlt.s32 v5, v4;
	v5 =	vor.u32 v7, v6  }
.Ltmp13:
0xd5: {  	vm0 =	vmand vm0, vm1;
	v5 =	vor.u32 v8, v5;
	(pc) =	sbr.rel @p1 .LBB2_17-.Ltmp13, $2  }
0xd6: {  	v5 =	vadd.s32 $0xA000, v5;
	_ =	sdelay $0x2  }
0xd7: {  	s20 =	sadd.s32 $0x10, s20;
	s21 =	sand.u32 $0x380, s19  }
0xd8: {  	_ =	sdelay $0x3  }
0xd9: {  	s20 =	sand.u32 $0x70, s19;
	s17 =	sadd.s32 s21, s17  }
0xda: {  	[tilespmem:v5+s12+$0x0] =	vst.idx.msk vm0, v0;
	s17 =	sadd.s32 s20, s17  }
0xdb: {  	v5 =	vld [tilespmem:s17+$0x0];
	_ =	sdelay $0x4  }
0xdc: {  	v7 =	vmov s19;
	v6 =	vsub.s32 v5, v3  }
0xdd: {  	v8 =	vor.u32 s19, v1;
	v7 =	vshll.u32 v7, $0x3;
	v6 =	vshll.u32 v6, $0xA  }
0xde: {  	v7 =	vand.u32 $0x1C00, v7;
	v9 =	vshll.u32 v5, $0x7;
	v6 =	vand.u32 $0xFFFFE000, v6  }
0xdf: {  	v8 =	vand.u32 $0x7F, v8;
	v63 =	vand.u32 $0x380, v9;
	v6 =	vor.u32 v7, v6  }
0xe0: {  	vm15 =	vge.s32 v5, v3;
	vm1 =	vlt.s32 v5, v4;
	v3 =	vor.u32 v63, v6  }
0xe1: {  	vm0 =	vmand vm15, vm1;
	v3 =	vor.u32 v8, v3  }
0xe2: {  	v3 =	vadd.s32 $0xA000, v3;
	_ =	sdelay $0x4  }
0xe3: {  	[tilespmem:v3+s12+$0x0] =	vst.idx.msk vm0, v0  }
.LBB2_19:
0xe4: {  	s17 =	smulhi.u32 $0x51EB851F, s18;
	_ =	sdelay $0x1  }
0xe5: {  	s19 =	sshrl.u32 s17, $0x3  }
0xe6: {  	s17 =	ssub.s32 s19, s4  }
0xe7: {  	s20 =	simm.s32 $0x0;
	s17 =	sshll.u32 s17, $0xC  }
0xe8: {  	s21 =	sand.u32 $0x380, s20;
	s17 =	sshra.s32 s17, $0x2  }
0xe9: {  	s22 =	sand.u32 $0x70, s20;
	s21 =	sadd.s32 s21, s17  }
0xea: {  	s19 =	smul.u32 $0x19, s19;
	s21 =	sadd.s32 s22, s21  }
0xeb: {  	v5 =	vld [tilespmem:s21+$0x0]  }
0xec: {  	s19 =	ssub.s32 s18, s19  }
0xed: {  	s19 =	smul.u32 $0x28, s19;
	_ =	sdelay $0x1  }
0xee: {  	v3 =	vmov s19  }
0xef: {  	v6 =	vmov s20;
	v8 =	vor.u32 s20, v1;
	v4 =	vsub.s32 v5, v3  }
0xf0: {  	v6 =	vshll.u32 v6, $0x3;
	v8 =	vand.u32 $0x7F, v8;
	v4 =	vshll.u32 v4, $0xA  }
0xf1: {  	v6 =	vand.u32 $0x1C00, v6;
	s19 =	sadd.s32 $0x28, s19;
	v7 =	vshll.u32 v5, $0x7;
	v4 =	vand.u32 $0xFFFFE000, v4  }
0xf2: {  	v7 =	vand.u32 $0x380, v7;
	v6 =	vor.u32 v6, v4;
	v4 =	vmov s19  }
0xf3: {  	vm0 =	vge.s32 v5, v3;
	v6 =	vor.u32 v7, v6;
	vm1 =	vlt.s32 v5, v4  }
0xf4: {  	v5 =	vor.u32 v8, v6;
	vm0 =	vmand vm0, vm1  }
0xf5: {  	v5 =	vadd.s32 $0xA000, v5;
	_ =	sdelay $0x1  }
0xf6: {  	s19 =	simm.s32 $0x10  }
0xf7: {  	s20 =	simm.s32 $0x20;
	s21 =	sand.u32 $0x380, s19  }
.LBB2_20:
0xf8: {  	p1 =	sne.s32 s20, $0x3F0;
	s22 =	sand.u32 $0x70, s19;
	s21 =	sadd.s32 s21, s17  }
0xf9: {  	s21 =	sadd.s32 s22, s21;
	[tilespmem:v5+s12+$0x0] =	vst.idx.msk vm0, v2  }
0xfa: {  	v5 =	vld [tilespmem:s21+$0x0];
	_ =	sdelay $0x4  }
0xfb: {  	v7 =	vmov s19;
	v6 =	vsub.s32 v5, v3  }
0xfc: {  	v8 =	vor.u32 s19, v1;
	s19 =	smov.u32 s20;
	v7 =	vshll.u32 v7, $0x3;
	v6 =	vshll.u32 v6, $0xA  }
0xfd: {  	v7 =	vand.u32 $0x1C00, v7;
	v9 =	vshll.u32 v5, $0x7;
	v6 =	vand.u32 $0xFFFFE000, v6  }
0xfe: {  	v8 =	vand.u32 $0x7F, v8;
	v6 =	vor.u32 v7, v6;
	v7 =	vand.u32 $0x380, v9  }
0xff: {  	vm0 =	vge.s32 v5, v3;
	vm1 =	vlt.s32 v5, v4;
	v5 =	vor.u32 v7, v6  }
.Ltmp14:
0x100: {  	vm0 =	vmand vm0, vm1;
	v5 =	vor.u32 v8, v5;
	(pc) =	sbr.rel @p1 .LBB2_20-.Ltmp14, $2  }
0x101: {  	v5 =	vadd.s32 $0xA000, v5;
	_ =	sdelay $0x2  }
0x102: {  	s20 =	sadd.s32 $0x10, s20;
	s21 =	sand.u32 $0x380, s19  }
0x103: {  	_ =	sdelay $0x3  }
0x104: {  	s20 =	sand.u32 $0x70, s19;
	s17 =	sadd.s32 s21, s17  }
0x105: {  	[tilespmem:v5+s12+$0x0] =	vst.idx.msk vm0, v2;
	s17 =	sadd.s32 s20, s17  }
0x106: {  	v5 =	vld [tilespmem:s17+$0x0];
	_ =	sdelay $0x4  }
0x107: {  	v7 =	vmov s19;
	v6 =	vsub.s32 v5, v3  }
0x108: {  	v8 =	vor.u32 s19, v1;
	v7 =	vshll.u32 v7, $0x3;
	v6 =	vshll.u32 v6, $0xA  }
0x109: {  	v7 =	vand.u32 $0x1C00, v7;
	v9 =	vshll.u32 v5, $0x7;
	v6 =	vand.u32 $0xFFFFE000, v6  }
0x10a: {  	v8 =	vand.u32 $0x7F, v8;
	v63 =	vand.u32 $0x380, v9;
	v6 =	vor.u32 v7, v6  }
0x10b: {  	vm15 =	vge.s32 v5, v3;
	vm1 =	vlt.s32 v5, v4;
	v3 =	vor.u32 v63, v6  }
0x10c: {  	vm0 =	vmand vm15, vm1;
	v3 =	vor.u32 v8, v3  }
0x10d: {  	v3 =	vadd.s32 $0xA000, v3  }
0x10e: {  	s31 =	smul.u32 $0xA000, s18  }
.Ltmp15:
0x10f: {  	_ = 	snop;
	(pc) =	sbr.rel .LBB2_22-.Ltmp15, $4  }
0x110: {  	_ = 	snop  }
0x111: {  	s17 =	sshrl.u32 s31, $0x3  }
0x112: {  	s17 =	sadd.s32 s2, s17;
	[tilespmem:v3+s12+$0x0] =	vst.idx.msk vm0, v2  }
0x113: {  	[hbm4b:s17+s3] =	stream.linear.scatter [tilespmem:s13], [sflag:$0x2], $0xA000, $0x38;
	[tilespmem:$0x14800] =	vst v63  }
.LBB2_24:
0x114: {  	_ =	sfence.sel $0x180000  }
0x115: {  	[bflag:$0x0] =	sbarrier.arrive $0xFFFF  }
0x116: {  	p0 =	sne.s32 s0, $0x0;
	_ =	strace $0x90000047  }
0x117: {  	s0 =	sadd.s32 @!p0 $0x100000, s1;
	[bflag:$0x2] =	sbarrier.arrive $0xFFFF  }
0x118: {  	[sflag:s0] =	ssyncadd.tile.s32 @!p0 $0x1;
	_ =	shalt  }
.Lfunc_end2:
_tile_overlayer_lowered:
.L_overlay_start_2:
0x119: {  	(tag) =	ssettag $0x2  }
0x11a: {  	s0 =	rddreg [dreg:$0x0];
	s2 =	stileid.u32  }
0x11b: {  	s1 =	rddreg [dreg:$0x1];
	p0 =	sne.s32 s2, $0x0  }
0x11c: {  	s3 =	rddreg [dreg:$0x2];
	[bflag:$0x3] =	sbarrier.arrive $0xFFFF;
	s2 =	simm.s32 @!p0 $0x1C03  }
0x11d: {  	[timem:s3], [sflag:s2] =	dma.local @!p0 [hbm:s0], s1  }
0x11e: {  	s0 =	simm.s32 @!p0 $0x3  }
0x11f: {  	_ =	swait.ge @!p0 [sflag:s0], s1  }
0x120: {  	s1 =	ssub.s32 @!p0 $0x0, s1;
	[sflag:s0] =	ssyncset.done @!p0 $0x0  }
0x121: {  	[sflag:s0] =	ssyncadd.s32 @!p0 s1  }
0x122: {  	[bflag:$0x3] =	sbarrier.arrive $0xFFFF  }
0x123: {  	_ =	shalt  }

</sc_bundles>
